<compile_context>
chip_gen: v7x
topology: tpu7x:2x2x1
jax: 0.10.2.dev20260603
libtpu: 0.0.44.dev20260713+nightly
codegen_flags: <defaults>
</compile_context>

<pallas_src>
import functools

import jax
import jax.numpy as jnp
from jax import lax
from jax.experimental import pallas as pl
from jax.experimental.pallas import tpu as pltpu
from jax.experimental.pallas import tpu_sc as plsc

N_USER = 5000
N_ITEM = 5000
E = 320000
D = 128

NC = 2
NS = 16
L = 16
NW = NC * NS

K = 80
PER_TILE = E // NW
N_CHUNKS = PER_TILE // K

ZROWS = 200
N_STRIPES = N_USER // ZROWS


def _sc_body(h_user, h_item, src_hbm, dst_hbm, dt_hbm, nm_hbm, dtr_hbm,
             nmr_hbm, nlam_hbm, pu_out, pi_out,
             src_v, dst_v, dt_v, nm_v, dtr_v, nmr_v, w_ui, w_iu,
             rows_ui, rows_iu, zbuf, lam_v, acc_user, acc_item, sem1, sem2):
  c = lax.axis_index("c")
  s = lax.axis_index("s")
  wid = c * NS + s

  def zero_row(r, carry):
    for j in range(D // L):
      zbuf[r, pl.ds(j * L, L)] = jnp.zeros((L,), jnp.float32)
    return carry
  lax.fori_loop(0, ZROWS, zero_row, 0)

  for j in range(2):
    stripe = s + NS * j
    @pl.when(stripe < N_STRIPES)
    def _():
      pltpu.sync_copy(zbuf, acc_user.at[pl.ds(stripe * ZROWS, ZROWS)])
      pltpu.sync_copy(zbuf, acc_item.at[pl.ds(stripe * ZROWS, ZROWS)])

  pltpu.sync_copy(nlam_hbm, lam_v)
  nlam = lam_v[...]

  plsc.subcore_barrier()

  base = wid * PER_TILE

  def chunk_body(jc, carry):
    e0 = base + jc * K
    pltpu.sync_copy(src_hbm.at[pl.ds(e0, K)], src_v)
    pltpu.sync_copy(dst_hbm.at[pl.ds(e0, K)], dst_v)
    g1 = pltpu.async_copy(h_user.at[src_v], rows_ui, sem1)
    g2 = pltpu.async_copy(h_item.at[dst_v], rows_iu, sem2)
    pltpu.sync_copy(dt_hbm.at[pl.ds(e0, K)], dt_v)
    pltpu.sync_copy(nm_hbm.at[pl.ds(e0, K)], nm_v)
    pltpu.sync_copy(dtr_hbm.at[pl.ds(e0, K)], dtr_v)
    pltpu.sync_copy(nmr_hbm.at[pl.ds(e0, K)], nmr_v)
    for i in range(K // L):
      sl = pl.ds(i * L, L)
      w_ui[sl] = nm_v[sl] * jnp.exp(nlam * dt_v[sl])
      w_iu[sl] = nmr_v[sl] * jnp.exp(nlam * dtr_v[sl])
    g1.wait()
    g2.wait()

    def scale_edge(e, carry2):
      spl = jnp.full((L,), e, jnp.int32)
      s_ui = plsc.load_gather(w_ui, [spl])
      s_iu = plsc.load_gather(w_iu, [spl])
      for j in range(D // L):
        sl2 = pl.ds(j * L, L)
        rows_ui[e, sl2] = rows_ui[e, sl2] * s_ui
        rows_iu[e, sl2] = rows_iu[e, sl2] * s_iu
      return carry2
    lax.fori_loop(0, K, scale_edge, 0)

    pltpu.sync_copy(rows_ui, acc_item.at[dst_v], add=True)
    pltpu.sync_copy(rows_iu, acc_user.at[src_v], add=True)
    return carry

  lax.fori_loop(0, N_CHUNKS, chunk_body, 0)

  plsc.subcore_barrier()

  for j in range(2):
    stripe = s + NS * j
    @pl.when(stripe < N_STRIPES)
    def _():
      sl = pl.ds(stripe * ZROWS, ZROWS)
      pltpu.sync_copy(acc_user.at[sl], pu_out.at[c, sl])
      pltpu.sync_copy(acc_item.at[sl], pi_out.at[c, sl])


_sc_call = functools.partial(
    pl.kernel,
    out_type=(
        jax.ShapeDtypeStruct((NC, N_USER, D), jnp.float32),
        jax.ShapeDtypeStruct((NC, N_ITEM, D), jnp.float32),
    ),
    mesh=plsc.VectorSubcoreMesh(
        core_axis_name="c", subcore_axis_name="s",
        num_cores=NC, num_subcores=NS),
    compiler_params=pltpu.CompilerParams(needs_layout_passes=False),
    scratch_types=[
        pltpu.VMEM((K,), jnp.int32),
        pltpu.VMEM((K,), jnp.int32),
        pltpu.VMEM((K,), jnp.float32),
        pltpu.VMEM((K,), jnp.float32),
        pltpu.VMEM((K,), jnp.float32),
        pltpu.VMEM((K,), jnp.float32),
        pltpu.VMEM((K,), jnp.float32),
        pltpu.VMEM((K,), jnp.float32),
        pltpu.VMEM((K, D), jnp.float32),
        pltpu.VMEM((K, D), jnp.float32),
        pltpu.VMEM((ZROWS, D), jnp.float32),
        pltpu.VMEM((L,), jnp.float32),
        pltpu.VMEM_SHARED((N_USER, D), jnp.float32),
        pltpu.VMEM_SHARED((N_ITEM, D), jnp.float32),
        pltpu.SemaphoreType.DMA,
        pltpu.SemaphoreType.DMA,
    ],
)(_sc_body)


def _combine_body(pu_ref, pi_ref, ou_ref, oi_ref):
  ou_ref[...] = pu_ref[0] + pu_ref[1]
  oi_ref[...] = pi_ref[0] + pi_ref[1]


def kernel(h_user, h_item, edge_src, edge_dst, dt, norm, dt_r, norm_r,
           decay_lam):
  neg_lam = -(jax.nn.relu(decay_lam.astype(jnp.float32)) + 0.0001)
  nl16 = jnp.full((L,), neg_lam, jnp.float32)
  src = edge_src.astype(jnp.int32)
  dst = edge_dst.astype(jnp.int32)
  pu, pi = _sc_call(h_user, h_item, src, dst, dt, norm, dt_r, norm_r, nl16)
  hu, hi = pl.pallas_call(
      _combine_body,
      out_shape=(
          jax.ShapeDtypeStruct((N_USER, D), jnp.float32),
          jax.ShapeDtypeStruct((N_ITEM, D), jnp.float32),
      ),
  )(pu, pi)
  return hu, hi

# --- scband reference (transcript-rebuilt; emitter-appended) ---
"""Pipeline reference for scband-temporal-light-gcnlayer-31842887533140 (READ-ONLY COPY).

The authoritative reference and input builder live on the scoring server;
editing this copy changes nothing except your own understanding.
"""

import jax, jax.numpy as jnp
import numpy as np

N_USER = 5000
N_ITEM = 5000
E = 320000
D = 128

def setup_inputs(seed: int = 0) -> dict:
    key = jax.random.key(seed)
    ks = jax.random.split(key, 9)
    h_user = jax.random.normal(ks[0], (N_USER, D), dtype=jnp.float32)
    h_item = jax.random.normal(ks[1], (N_ITEM, D), dtype=jnp.float32)
    edge_src = jax.random.randint(ks[2], (E,), 0, N_USER, dtype=jnp.int64) if jax.config.jax_enable_x64 else jax.random.randint(ks[2], (E,), 0, N_USER).astype(jnp.int32)
    edge_dst = jax.random.randint(ks[3], (E,), 0, N_ITEM).astype(edge_src.dtype)
    dt = jax.random.uniform(ks[4], (E,), dtype=jnp.float32)
    norm = jax.random.uniform(ks[5], (E,), dtype=jnp.float32)
    dt_r = jax.random.uniform(ks[6], (E,), dtype=jnp.float32)
    norm_r = jax.random.uniform(ks[7], (E,), dtype=jnp.float32)
    decay_lam = jnp.asarray(0.1, dtype=jnp.float32)
    return {"h_user": h_user, "h_item": h_item, "edge_src": edge_src, "edge_dst": edge_dst,
            "dt": dt, "norm": norm, "dt_r": dt_r, "norm_r": norm_r, "decay_lam": decay_lam}

def reference(h_user, h_item, edge_src, edge_dst, dt, norm, dt_r, norm_r, decay_lam):
    # lam = relu(decay_lam) + 0.0001
    lam = jax.nn.relu(decay_lam) + 0.0001
    # etype 'user_item' (user -> item): temporal_weight = norm * exp(-lam * dt)
    w_ui = norm * jnp.exp(-lam * dt)
    # etype 'r.user_item' (item -> user): temporal_weight = norm_r * exp(-lam * dt_r)
    w_iu = norm_r * jnp.exp(-lam * dt_r)
    # message u_mul_e('h','temporal_weight') + sum reduce, per etype, cross_reducer='sum'
    # user -> item messages: h_user[src] * w, scatter-add into item nodes
    msg_ui = h_user[edge_src] * w_ui[:, None]
    h_item_new = jax.ops.segment_sum(msg_ui, edge_dst, num_segments=N_ITEM)
    # item -> user messages (reverse edges): h_item[dst] * w_r, scatter-add into user nodes
    msg_iu = h_item[edge_dst] * w_iu[:, None]
    h_user_new = jax.ops.segment_sum(msg_iu, edge_src, num_segments=N_USER)
    return (h_user_new, h_item_new)

if __name__ == "__main__":
    import jax
    _d = setup_inputs()
    print(jax.jit(kernel)(*tuple(_d.values())))

</pallas_src>

<mosaic_0001>
#map = affine_map<(d0, d1) -> (0, 0)>
#map1 = affine_map<(d0, d1) -> (0)>
#map2 = affine_map<(d0, d1) -> (0, 0, 0)>
module attributes {stable_mosaic.version = 14 : i64} {
  func.func @_sc_body(%arg0: i32, %arg1: i32, %arg2: memref<5000x128xf32, #tpu.memory_space<hbm>>, %arg3: memref<5000x128xf32, #tpu.memory_space<hbm>>, %arg4: memref<320000xi32, #tpu.memory_space<hbm>>, %arg5: memref<320000xi32, #tpu.memory_space<hbm>>, %arg6: memref<320000xf32, #tpu.memory_space<hbm>>, %arg7: memref<320000xf32, #tpu.memory_space<hbm>>, %arg8: memref<320000xf32, #tpu.memory_space<hbm>>, %arg9: memref<320000xf32, #tpu.memory_space<hbm>>, %arg10: memref<16xf32, #tpu.memory_space<hbm>>, %arg11: memref<2x5000x128xf32, #tpu.memory_space<hbm>>, %arg12: memref<2x5000x128xf32, #tpu.memory_space<hbm>>, %arg13: memref<80xi32, #tpu.memory_space<vmem>>, %arg14: memref<80xi32, #tpu.memory_space<vmem>>, %arg15: memref<80xf32, #tpu.memory_space<vmem>>, %arg16: memref<80xf32, #tpu.memory_space<vmem>>, %arg17: memref<80xf32, #tpu.memory_space<vmem>>, %arg18: memref<80xf32, #tpu.memory_space<vmem>>, %arg19: memref<80xf32, #tpu.memory_space<vmem>>, %arg20: memref<80xf32, #tpu.memory_space<vmem>>, %arg21: memref<80x128xf32, #tpu.memory_space<vmem>>, %arg22: memref<80x128xf32, #tpu.memory_space<vmem>>, %arg23: memref<200x128xf32, #tpu.memory_space<vmem>>, %arg24: memref<16xf32, #tpu.memory_space<vmem>>, %arg25: memref<5000x128xf32, #tpu.memory_space<vmem_shared>>, %arg26: memref<5000x128xf32, #tpu.memory_space<vmem_shared>>, %arg27: memref<!tpu.dma_semaphore, #tpu.memory_space<semaphore_mem>>, %arg28: memref<!tpu.dma_semaphore, #tpu.memory_space<semaphore_mem>>) attributes {dimension_semantics = [#tpu.dimension_semantics<core_parallel>, #tpu.dimension_semantics<subcore_parallel>], iteration_bounds = array<i64: 2, 16>, scalar_prefetch = 0 : i64, scratch_operands = 16 : i64, tpu.core_type = #tpu.core_type<sc_vector_subcore>, window_params = [{transform_indices = #map}, {transform_indices = #map}, {transform_indices = #map1}, {transform_indices = #map1}, {transform_indices = #map1}, {transform_indices = #map1}, {transform_indices = #map1}, {transform_indices = #map1}, {transform_indices = #map1}, {transform_indices = #map2}, {transform_indices = #map2}]} {
    %mul3A = arith.constant 16 : i32
    %mul3A_0 = arith.muli %arg0, %mul3A : i32
    %add3A = arith.addi %mul3A_0, %arg1 : i32
    %scan3A = arith.constant 0 : i32
    %scan3A_1 = arith.constant 0 : i32
    %scan3A_2 = arith.constant 200 : i32
    %scan3A_3 = arith.addi %scan3A_1, %scan3A_2 : i32
    %scan3A_4 = arith.constant 1 : i32
    scf.for %scan3A_41 = %scan3A_1 to %scan3A_3 step %scan3A_4  : i32 {
      %broadcast_in_dim3A = arith.constant 0.000000e+00 : f32
      %broadcast_in_dim3A_42 = vector.broadcast %broadcast_in_dim3A : f32 to vector<16xf32>
      %swap3A = arith.index_cast %scan3A_41 : i32 to index
      %swap3A_43 = arith.constant 0 : index
      %swap3A_44 = tpu.vector_load %arg23[%swap3A, %swap3A_43] {strides = array<i32>} : memref<200x128xf32, #tpu.memory_space<vmem>>, vector<16xf32>,
      tpu.vector_store %arg23[%swap3A, %swap3A_43], %broadcast_in_dim3A_42 {strides = array<i32>} : memref<200x128xf32, #tpu.memory_space<vmem>>, vector<16xf32>,
      %broadcast_in_dim3A_45 = arith.constant 0.000000e+00 : f32
      %broadcast_in_dim3A_46 = vector.broadcast %broadcast_in_dim3A_45 : f32 to vector<16xf32>
      %swap3A_47 = arith.index_cast %scan3A_41 : i32 to index
      %swap3A_48 = arith.constant 16 : index
      %swap3A_49 = tpu.vector_load %arg23[%swap3A_47, %swap3A_48] {strides = array<i32>} : memref<200x128xf32, #tpu.memory_space<vmem>>, vector<16xf32>,
      tpu.vector_store %arg23[%swap3A_47, %swap3A_48], %broadcast_in_dim3A_46 {strides = array<i32>} : memref<200x128xf32, #tpu.memory_space<vmem>>, vector<16xf32>,
      %broadcast_in_dim3A_50 = arith.constant 0.000000e+00 : f32
      %broadcast_in_dim3A_51 = vector.broadcast %broadcast_in_dim3A_50 : f32 to vector<16xf32>
      %swap3A_52 = arith.index_cast %scan3A_41 : i32 to index
      %swap3A_53 = arith.constant 32 : index
      %swap3A_54 = tpu.vector_load %arg23[%swap3A_52, %swap3A_53] {strides = array<i32>} : memref<200x128xf32, #tpu.memory_space<vmem>>, vector<16xf32>,
      tpu.vector_store %arg23[%swap3A_52, %swap3A_53], %broadcast_in_dim3A_51 {strides = array<i32>} : memref<200x128xf32, #tpu.memory_space<vmem>>, vector<16xf32>,
      %broadcast_in_dim3A_55 = arith.constant 0.000000e+00 : f32
      %broadcast_in_dim3A_56 = vector.broadcast %broadcast_in_dim3A_55 : f32 to vector<16xf32>
      %swap3A_57 = arith.index_cast %scan3A_41 : i32 to index
      %swap3A_58 = arith.constant 48 : index
      %swap3A_59 = tpu.vector_load %arg23[%swap3A_57, %swap3A_58] {strides = array<i32>} : memref<200x128xf32, #tpu.memory_space<vmem>>, vector<16xf32>,
      tpu.vector_store %arg23[%swap3A_57, %swap3A_58], %broadcast_in_dim3A_56 {strides = array<i32>} : memref<200x128xf32, #tpu.memory_space<vmem>>, vector<16xf32>,
      %broadcast_in_dim3A_60 = arith.constant 0.000000e+00 : f32
      %broadcast_in_dim3A_61 = vector.broadcast %broadcast_in_dim3A_60 : f32 to vector<16xf32>
      %swap3A_62 = arith.index_cast %scan3A_41 : i32 to index
      %swap3A_63 = arith.constant 64 : index
      %swap3A_64 = tpu.vector_load %arg23[%swap3A_62, %swap3A_63] {strides = array<i32>} : memref<200x128xf32, #tpu.memory_space<vmem>>, vector<16xf32>,
      tpu.vector_store %arg23[%swap3A_62, %swap3A_63], %broadcast_in_dim3A_61 {strides = array<i32>} : memref<200x128xf32, #tpu.memory_space<vmem>>, vector<16xf32>,
      %broadcast_in_dim3A_65 = arith.constant 0.000000e+00 : f32
      %broadcast_in_dim3A_66 = vector.broadcast %broadcast_in_dim3A_65 : f32 to vector<16xf32>
      %swap3A_67 = arith.index_cast %scan3A_41 : i32 to index
      %swap3A_68 = arith.constant 80 : index
      %swap3A_69 = tpu.vector_load %arg23[%swap3A_67, %swap3A_68] {strides = array<i32>} : memref<200x128xf32, #tpu.memory_space<vmem>>, vector<16xf32>,
      tpu.vector_store %arg23[%swap3A_67, %swap3A_68], %broadcast_in_dim3A_66 {strides = array<i32>} : memref<200x128xf32, #tpu.memory_space<vmem>>, vector<16xf32>,
      %broadcast_in_dim3A_70 = arith.constant 0.000000e+00 : f32
      %broadcast_in_dim3A_71 = vector.broadcast %broadcast_in_dim3A_70 : f32 to vector<16xf32>
      %swap3A_72 = arith.index_cast %scan3A_41 : i32 to index
      %swap3A_73 = arith.constant 96 : index
      %swap3A_74 = tpu.vector_load %arg23[%swap3A_72, %swap3A_73] {strides = array<i32>} : memref<200x128xf32, #tpu.memory_space<vmem>>, vector<16xf32>,
      tpu.vector_store %arg23[%swap3A_72, %swap3A_73], %broadcast_in_dim3A_71 {strides = array<i32>} : memref<200x128xf32, #tpu.memory_space<vmem>>, vector<16xf32>,
      %broadcast_in_dim3A_75 = arith.constant 0.000000e+00 : f32
      %broadcast_in_dim3A_76 = vector.broadcast %broadcast_in_dim3A_75 : f32 to vector<16xf32>
      %swap3A_77 = arith.index_cast %scan3A_41 : i32 to index
      %swap3A_78 = arith.constant 112 : index
      %swap3A_79 = tpu.vector_load %arg23[%swap3A_77, %swap3A_78] {strides = array<i32>} : memref<200x128xf32, #tpu.memory_space<vmem>>, vector<16xf32>,
      tpu.vector_store %arg23[%swap3A_77, %swap3A_78], %broadcast_in_dim3A_76 {strides = array<i32>} : memref<200x128xf32, #tpu.memory_space<vmem>>, vector<16xf32>,
    }
    %scan3A_5 = arith.constant 200 : i32
    %add3A_6 = arith.constant 0 : i32
    %add3A_7 = arith.addi %arg1, %add3A_6 : i32
    %lt3A = arith.constant 25 : i32
    %lt3A_8 = arith.cmpi slt, %add3A_7, %lt3A : i32
    %convert_element_type3A = arith.extui %lt3A_8 : i1 to i32
    %cond3A = arith.constant 0 : i32
    %cond3A_9 = arith.cmpi ne, %convert_element_type3A, %cond3A : i32
    scf.if %cond3A_9 {
      %mul3A_41 = arith.constant 200 : i32
      %mul3A_42 = arith.muli %add3A_7, %mul3A_41 : i32
      "tpu.region"() ({
        %run_scoped3A = tpu.sem_alloc : memref<!tpu.dma_semaphore, #tpu.memory_space<semaphore_mem>>
        %dma_start3A = arith.constant 0 : i32
        %dma_start3A_45 = tpu.memref_slice %arg25[%mul3A_42, %dma_start3A] : memref<5000x128xf32, #tpu.memory_space<vmem_shared>> -> memref<200x128xf32, #tpu.memory_space<vmem_shared>>
        %dma_start3A_46 = arith.constant 0 : i32
        %dma_start3A_47 = tpu.memref_slice %arg25[%mul3A_42, %dma_start3A_46] : memref<5000x128xf32, #tpu.memory_space<vmem_shared>> -> memref<200x128xf32, #tpu.memory_space<vmem_shared>>
        tpu.enqueue_dma source(%arg23 : memref<200x128xf32, #tpu.memory_space<vmem>>) target(%dma_start3A_47 : memref<200x128xf32, #tpu.memory_space<vmem_shared>>) target_semaphore(%run_scoped3A : memref<!tpu.dma_semaphore, #tpu.memory_space<semaphore_mem>>)
        %dma_wait3A = arith.constant 0 : i32
        %dma_wait3A_48 = tpu.memref_slice %arg25[%mul3A_42, %dma_wait3A] : memref<5000x128xf32, #tpu.memory_space<vmem_shared>> -> memref<200x128xf32, #tpu.memory_space<vmem_shared>>
        %dma_wait3A_49 = arith.constant 0 : i32
        %dma_wait3A_50 = tpu.memref_slice %arg25[%mul3A_42, %dma_wait3A_49] : memref<5000x128xf32, #tpu.memory_space<vmem_shared>> -> memref<200x128xf32, #tpu.memory_space<vmem_shared>>
        tpu.wait_dma2 semaphore(%run_scoped3A : memref<!tpu.dma_semaphore, #tpu.memory_space<semaphore_mem>>) src(%arg23 : memref<200x128xf32, #tpu.memory_space<vmem>>) dst(%dma_wait3A_50 : memref<200x128xf32, #tpu.memory_space<vmem_shared>>)
        tpu.yield
      }) : () -> ()
      %mul3A_43 = arith.constant 200 : i32
      %mul3A_44 = arith.muli %add3A_7, %mul3A_43 : i32
      "tpu.region"() ({
        %run_scoped3A = tpu.sem_alloc : memref<!tpu.dma_semaphore, #tpu.memory_space<semaphore_mem>>
        %dma_start3A = arith.constant 0 : i32
        %dma_start3A_45 = tpu.memref_slice %arg26[%mul3A_44, %dma_start3A] : memref<5000x128xf32, #tpu.memory_space<vmem_shared>> -> memref<200x128xf32, #tpu.memory_space<vmem_shared>>
        %dma_start3A_46 = arith.constant 0 : i32
        %dma_start3A_47 = tpu.memref_slice %arg26[%mul3A_44, %dma_start3A_46] : memref<5000x128xf32, #tpu.memory_space<vmem_shared>> -> memref<200x128xf32, #tpu.memory_space<vmem_shared>>
        tpu.enqueue_dma source(%arg23 : memref<200x128xf32, #tpu.memory_space<vmem>>) target(%dma_start3A_47 : memref<200x128xf32, #tpu.memory_space<vmem_shared>>) target_semaphore(%run_scoped3A : memref<!tpu.dma_semaphore, #tpu.memory_space<semaphore_mem>>)
        %dma_wait3A = arith.constant 0 : i32
        %dma_wait3A_48 = tpu.memref_slice %arg26[%mul3A_44, %dma_wait3A] : memref<5000x128xf32, #tpu.memory_space<vmem_shared>> -> memref<200x128xf32, #tpu.memory_space<vmem_shared>>
        %dma_wait3A_49 = arith.constant 0 : i32
        %dma_wait3A_50 = tpu.memref_slice %arg26[%mul3A_44, %dma_wait3A_49] : memref<5000x128xf32, #tpu.memory_space<vmem_shared>> -> memref<200x128xf32, #tpu.memory_space<vmem_shared>>
        tpu.wait_dma2 semaphore(%run_scoped3A : memref<!tpu.dma_semaphore, #tpu.memory_space<semaphore_mem>>) src(%arg23 : memref<200x128xf32, #tpu.memory_space<vmem>>) dst(%dma_wait3A_50 : memref<200x128xf32, #tpu.memory_space<vmem_shared>>)
        tpu.yield
      }) : () -> ()
    } else {
    }
    %add3A_10 = arith.constant 16 : i32
    %add3A_11 = arith.addi %arg1, %add3A_10 : i32
    %lt3A_12 = arith.constant 25 : i32
    %lt3A_13 = arith.cmpi slt, %add3A_11, %lt3A_12 : i32
    %convert_element_type3A_14 = arith.extui %lt3A_13 : i1 to i32
    %cond3A_15 = arith.constant 0 : i32
    %cond3A_16 = arith.cmpi ne, %convert_element_type3A_14, %cond3A_15 : i32
    scf.if %cond3A_16 {
      %mul3A_41 = arith.constant 200 : i32
      %mul3A_42 = arith.muli %add3A_11, %mul3A_41 : i32
      "tpu.region"() ({
        %run_scoped3A = tpu.sem_alloc : memref<!tpu.dma_semaphore, #tpu.memory_space<semaphore_mem>>
        %dma_start3A = arith.constant 0 : i32
        %dma_start3A_45 = tpu.memref_slice %arg25[%mul3A_42, %dma_start3A] : memref<5000x128xf32, #tpu.memory_space<vmem_shared>> -> memref<200x128xf32, #tpu.memory_space<vmem_shared>>
        %dma_start3A_46 = arith.constant 0 : i32
        %dma_start3A_47 = tpu.memref_slice %arg25[%mul3A_42, %dma_start3A_46] : memref<5000x128xf32, #tpu.memory_space<vmem_shared>> -> memref<200x128xf32, #tpu.memory_space<vmem_shared>>
        tpu.enqueue_dma source(%arg23 : memref<200x128xf32, #tpu.memory_space<vmem>>) target(%dma_start3A_47 : memref<200x128xf32, #tpu.memory_space<vmem_shared>>) target_semaphore(%run_scoped3A : memref<!tpu.dma_semaphore, #tpu.memory_space<semaphore_mem>>)
        %dma_wait3A = arith.constant 0 : i32
        %dma_wait3A_48 = tpu.memref_slice %arg25[%mul3A_42, %dma_wait3A] : memref<5000x128xf32, #tpu.memory_space<vmem_shared>> -> memref<200x128xf32, #tpu.memory_space<vmem_shared>>
        %dma_wait3A_49 = arith.constant 0 : i32
        %dma_wait3A_50 = tpu.memref_slice %arg25[%mul3A_42, %dma_wait3A_49] : memref<5000x128xf32, #tpu.memory_space<vmem_shared>> -> memref<200x128xf32, #tpu.memory_space<vmem_shared>>
        tpu.wait_dma2 semaphore(%run_scoped3A : memref<!tpu.dma_semaphore, #tpu.memory_space<semaphore_mem>>) src(%arg23 : memref<200x128xf32, #tpu.memory_space<vmem>>) dst(%dma_wait3A_50 : memref<200x128xf32, #tpu.memory_space<vmem_shared>>)
        tpu.yield
      }) : () -> ()
      %mul3A_43 = arith.constant 200 : i32
      %mul3A_44 = arith.muli %add3A_11, %mul3A_43 : i32
      "tpu.region"() ({
        %run_scoped3A = tpu.sem_alloc : memref<!tpu.dma_semaphore, #tpu.memory_space<semaphore_mem>>
        %dma_start3A = arith.constant 0 : i32
        %dma_start3A_45 = tpu.memref_slice %arg26[%mul3A_44, %dma_start3A] : memref<5000x128xf32, #tpu.memory_space<vmem_shared>> -> memref<200x128xf32, #tpu.memory_space<vmem_shared>>
        %dma_start3A_46 = arith.constant 0 : i32
        %dma_start3A_47 = tpu.memref_slice %arg26[%mul3A_44, %dma_start3A_46] : memref<5000x128xf32, #tpu.memory_space<vmem_shared>> -> memref<200x128xf32, #tpu.memory_space<vmem_shared>>
        tpu.enqueue_dma source(%arg23 : memref<200x128xf32, #tpu.memory_space<vmem>>) target(%dma_start3A_47 : memref<200x128xf32, #tpu.memory_space<vmem_shared>>) target_semaphore(%run_scoped3A : memref<!tpu.dma_semaphore, #tpu.memory_space<semaphore_mem>>)
        %dma_wait3A = arith.constant 0 : i32
        %dma_wait3A_48 = tpu.memref_slice %arg26[%mul3A_44, %dma_wait3A] : memref<5000x128xf32, #tpu.memory_space<vmem_shared>> -> memref<200x128xf32, #tpu.memory_space<vmem_shared>>
        %dma_wait3A_49 = arith.constant 0 : i32
        %dma_wait3A_50 = tpu.memref_slice %arg26[%mul3A_44, %dma_wait3A_49] : memref<5000x128xf32, #tpu.memory_space<vmem_shared>> -> memref<200x128xf32, #tpu.memory_space<vmem_shared>>
        tpu.wait_dma2 semaphore(%run_scoped3A : memref<!tpu.dma_semaphore, #tpu.memory_space<semaphore_mem>>) src(%arg23 : memref<200x128xf32, #tpu.memory_space<vmem>>) dst(%dma_wait3A_50 : memref<200x128xf32, #tpu.memory_space<vmem_shared>>)
        tpu.yield
      }) : () -> ()
    } else {
    }
    "tpu.region"() ({
      %run_scoped3A = tpu.sem_alloc : memref<!tpu.dma_semaphore, #tpu.memory_space<semaphore_mem>>
      tpu.enqueue_dma source(%arg10 : memref<16xf32, #tpu.memory_space<hbm>>) target(%arg24 : memref<16xf32, #tpu.memory_space<vmem>>) target_semaphore(%run_scoped3A : memref<!tpu.dma_semaphore, #tpu.memory_space<semaphore_mem>>)
      tpu.wait_dma2 semaphore(%run_scoped3A : memref<!tpu.dma_semaphore, #tpu.memory_space<semaphore_mem>>) src(%arg10 : memref<16xf32, #tpu.memory_space<hbm>>) dst(%arg24 : memref<16xf32, #tpu.memory_space<vmem>>)
      tpu.yield
    }) : () -> ()
    %get3A = arith.constant 0 : index
    %get3A_17 = tpu.vector_load %arg24[%get3A] {strides = array<i32>} : memref<16xf32, #tpu.memory_space<vmem>>, vector<16xf32>,
    %barrier3A = arith.constant 0 : index
    tpu.barrier barrier_id(%barrier3A)
    %mul3A_18 = arith.constant 10000 : i32
    %mul3A_19 = arith.muli %add3A, %mul3A_18 : i32
    %scan3A_20 = arith.constant 0 : i32
    %scan3A_21 = arith.constant 0 : i32
    %scan3A_22 = arith.constant 125 : i32
    %scan3A_23 = arith.addi %scan3A_21, %scan3A_22 : i32
    %scan3A_24 = arith.constant 1 : i32
    scf.for %scan3A_41 = %scan3A_21 to %scan3A_23 step %scan3A_24  : i32 {
      %mul3A_42 = arith.constant 80 : i32
      %mul3A_43 = arith.muli %scan3A_41, %mul3A_42 : i32
      %add3A_44 = arith.addi %mul3A_19, %mul3A_43 : i32
      "tpu.region"() ({
        %run_scoped3A = tpu.sem_alloc : memref<!tpu.dma_semaphore, #tpu.memory_space<semaphore_mem>>
        %dma_start3A_149 = tpu.memref_slice %arg4[%add3A_44] : memref<320000xi32, #tpu.memory_space<hbm>> -> memref<80xi32, #tpu.memory_space<hbm>>
        %dma_start3A_150 = tpu.memref_slice %arg4[%add3A_44] : memref<320000xi32, #tpu.memory_space<hbm>> -> memref<80xi32, #tpu.memory_space<hbm>>
        tpu.enqueue_dma source(%dma_start3A_150 : memref<80xi32, #tpu.memory_space<hbm>>) target(%arg13 : memref<80xi32, #tpu.memory_space<vmem>>) target_semaphore(%run_scoped3A : memref<!tpu.dma_semaphore, #tpu.memory_space<semaphore_mem>>)
        %dma_wait3A_151 = tpu.memref_slice %arg4[%add3A_44] : memref<320000xi32, #tpu.memory_space<hbm>> -> memref<80xi32, #tpu.memory_space<hbm>>
        %dma_wait3A_152 = tpu.memref_slice %arg4[%add3A_44] : memref<320000xi32, #tpu.memory_space<hbm>> -> memref<80xi32, #tpu.memory_space<hbm>>
        tpu.wait_dma2 semaphore(%run_scoped3A : memref<!tpu.dma_semaphore, #tpu.memory_space<semaphore_mem>>) src(%dma_wait3A_152 : memref<80xi32, #tpu.memory_space<hbm>>) dst(%arg13 : memref<80xi32, #tpu.memory_space<vmem>>)
        tpu.yield
      }) : () -> ()
      "tpu.region"() ({
        %run_scoped3A = tpu.sem_alloc : memref<!tpu.dma_semaphore, #tpu.memory_space<semaphore_mem>>
        %dma_start3A_149 = tpu.memref_slice %arg5[%add3A_44] : memref<320000xi32, #tpu.memory_space<hbm>> -> memref<80xi32, #tpu.memory_space<hbm>>
        %dma_start3A_150 = tpu.memref_slice %arg5[%add3A_44] : memref<320000xi32, #tpu.memory_space<hbm>> -> memref<80xi32, #tpu.memory_space<hbm>>
        tpu.enqueue_dma source(%dma_start3A_150 : memref<80xi32, #tpu.memory_space<hbm>>) target(%arg14 : memref<80xi32, #tpu.memory_space<vmem>>) target_semaphore(%run_scoped3A : memref<!tpu.dma_semaphore, #tpu.memory_space<semaphore_mem>>)
        %dma_wait3A_151 = tpu.memref_slice %arg5[%add3A_44] : memref<320000xi32, #tpu.memory_space<hbm>> -> memref<80xi32, #tpu.memory_space<hbm>>
        %dma_wait3A_152 = tpu.memref_slice %arg5[%add3A_44] : memref<320000xi32, #tpu.memory_space<hbm>> -> memref<80xi32, #tpu.memory_space<hbm>>
        tpu.wait_dma2 semaphore(%run_scoped3A : memref<!tpu.dma_semaphore, #tpu.memory_space<semaphore_mem>>) src(%dma_wait3A_152 : memref<80xi32, #tpu.memory_space<hbm>>) dst(%arg14 : memref<80xi32, #tpu.memory_space<vmem>>)
        tpu.yield
      }) : () -> ()
      %dma_start3A = arith.constant 0 : i32
      %dma_start3A_45 = arith.constant 0 : i32
      %dma_start3A_46 = tpu.memref_slice %arg2[%dma_start3A, %dma_start3A_45] : memref<5000x128xf32, #tpu.memory_space<hbm>> -> memref<5000x128xf32, #tpu.memory_space<hbm>>
      tpu.enqueue_indirect_dma source(%dma_start3A_46 : memref<5000x128xf32, #tpu.memory_space<hbm>>) target(%arg21 : memref<80x128xf32, #tpu.memory_space<vmem>>) offsets(%arg13 : memref<80xi32, #tpu.memory_space<vmem>>) semaphore(%arg27 : memref<!tpu.dma_semaphore, #tpu.memory_space<semaphore_mem>>)
      %dma_start3A_47 = arith.constant 0 : i32
      %dma_start3A_48 = arith.constant 0 : i32
      %dma_start3A_49 = tpu.memref_slice %arg3[%dma_start3A_47, %dma_start3A_48] : memref<5000x128xf32, #tpu.memory_space<hbm>> -> memref<5000x128xf32, #tpu.memory_space<hbm>>
      tpu.enqueue_indirect_dma source(%dma_start3A_49 : memref<5000x128xf32, #tpu.memory_space<hbm>>) target(%arg22 : memref<80x128xf32, #tpu.memory_space<vmem>>) offsets(%arg14 : memref<80xi32, #tpu.memory_space<vmem>>) semaphore(%arg28 : memref<!tpu.dma_semaphore, #tpu.memory_space<semaphore_mem>>)
      "tpu.region"() ({
        %run_scoped3A = tpu.sem_alloc : memref<!tpu.dma_semaphore, #tpu.memory_space<semaphore_mem>>
        %dma_start3A_149 = tpu.memref_slice %arg6[%add3A_44] : memref<320000xf32, #tpu.memory_space<hbm>> -> memref<80xf32, #tpu.memory_space<hbm>>
        %dma_start3A_150 = tpu.memref_slice %arg6[%add3A_44] : memref<320000xf32, #tpu.memory_space<hbm>> -> memref<80xf32, #tpu.memory_space<hbm>>
        tpu.enqueue_dma source(%dma_start3A_150 : memref<80xf32, #tpu.memory_space<hbm>>) target(%arg15 : memref<80xf32, #tpu.memory_space<vmem>>) target_semaphore(%run_scoped3A : memref<!tpu.dma_semaphore, #tpu.memory_space<semaphore_mem>>)
        %dma_wait3A_151 = tpu.memref_slice %arg6[%add3A_44] : memref<320000xf32, #tpu.memory_space<hbm>> -> memref<80xf32, #tpu.memory_space<hbm>>
        %dma_wait3A_152 = tpu.memref_slice %arg6[%add3A_44] : memref<320000xf32, #tpu.memory_space<hbm>> -> memref<80xf32, #tpu.memory_space<hbm>>
        tpu.wait_dma2 semaphore(%run_scoped3A : memref<!tpu.dma_semaphore, #tpu.memory_space<semaphore_mem>>) src(%dma_wait3A_152 : memref<80xf32, #tpu.memory_space<hbm>>) dst(%arg15 : memref<80xf32, #tpu.memory_space<vmem>>)
        tpu.yield
      }) : () -> ()
      "tpu.region"() ({
        %run_scoped3A = tpu.sem_alloc : memref<!tpu.dma_semaphore, #tpu.memory_space<semaphore_mem>>
        %dma_start3A_149 = tpu.memref_slice %arg7[%add3A_44] : memref<320000xf32, #tpu.memory_space<hbm>> -> memref<80xf32, #tpu.memory_space<hbm>>
        %dma_start3A_150 = tpu.memref_slice %arg7[%add3A_44] : memref<320000xf32, #tpu.memory_space<hbm>> -> memref<80xf32, #tpu.memory_space<hbm>>
        tpu.enqueue_dma source(%dma_start3A_150 : memref<80xf32, #tpu.memory_space<hbm>>) target(%arg16 : memref<80xf32, #tpu.memory_space<vmem>>) target_semaphore(%run_scoped3A : memref<!tpu.dma_semaphore, #tpu.memory_space<semaphore_mem>>)
        %dma_wait3A_151 = tpu.memref_slice %arg7[%add3A_44] : memref<320000xf32, #tpu.memory_space<hbm>> -> memref<80xf32, #tpu.memory_space<hbm>>
        %dma_wait3A_152 = tpu.memref_slice %arg7[%add3A_44] : memref<320000xf32, #tpu.memory_space<hbm>> -> memref<80xf32, #tpu.memory_space<hbm>>
        tpu.wait_dma2 semaphore(%run_scoped3A : memref<!tpu.dma_semaphore, #tpu.memory_space<semaphore_mem>>) src(%dma_wait3A_152 : memref<80xf32, #tpu.memory_space<hbm>>) dst(%arg16 : memref<80xf32, #tpu.memory_space<vmem>>)
        tpu.yield
      }) : () -> ()
      "tpu.region"() ({
        %run_scoped3A = tpu.sem_alloc : memref<!tpu.dma_semaphore, #tpu.memory_space<semaphore_mem>>
        %dma_start3A_149 = tpu.memref_slice %arg8[%add3A_44] : memref<320000xf32, #tpu.memory_space<hbm>> -> memref<80xf32, #tpu.memory_space<hbm>>
        %dma_start3A_150 = tpu.memref_slice %arg8[%add3A_44] : memref<320000xf32, #tpu.memory_space<hbm>> -> memref<80xf32, #tpu.memory_space<hbm>>
        tpu.enqueue_dma source(%dma_start3A_150 : memref<80xf32, #tpu.memory_space<hbm>>) target(%arg17 : memref<80xf32, #tpu.memory_space<vmem>>) target_semaphore(%run_scoped3A : memref<!tpu.dma_semaphore, #tpu.memory_space<semaphore_mem>>)
        %dma_wait3A_151 = tpu.memref_slice %arg8[%add3A_44] : memref<320000xf32, #tpu.memory_space<hbm>> -> memref<80xf32, #tpu.memory_space<hbm>>
        %dma_wait3A_152 = tpu.memref_slice %arg8[%add3A_44] : memref<320000xf32, #tpu.memory_space<hbm>> -> memref<80xf32, #tpu.memory_space<hbm>>
        tpu.wait_dma2 semaphore(%run_scoped3A : memref<!tpu.dma_semaphore, #tpu.memory_space<semaphore_mem>>) src(%dma_wait3A_152 : memref<80xf32, #tpu.memory_space<hbm>>) dst(%arg17 : memref<80xf32, #tpu.memory_space<vmem>>)
        tpu.yield
      }) : () -> ()
      "tpu.region"() ({
        %run_scoped3A = tpu.sem_alloc : memref<!tpu.dma_semaphore, #tpu.memory_space<semaphore_mem>>
        %dma_start3A_149 = tpu.memref_slice %arg9[%add3A_44] : memref<320000xf32, #tpu.memory_space<hbm>> -> memref<80xf32, #tpu.memory_space<hbm>>
        %dma_start3A_150 = tpu.memref_slice %arg9[%add3A_44] : memref<320000xf32, #tpu.memory_space<hbm>> -> memref<80xf32, #tpu.memory_space<hbm>>
        tpu.enqueue_dma source(%dma_start3A_150 : memref<80xf32, #tpu.memory_space<hbm>>) target(%arg18 : memref<80xf32, #tpu.memory_space<vmem>>) target_semaphore(%run_scoped3A : memref<!tpu.dma_semaphore, #tpu.memory_space<semaphore_mem>>)
        %dma_wait3A_151 = tpu.memref_slice %arg9[%add3A_44] : memref<320000xf32, #tpu.memory_space<hbm>> -> memref<80xf32, #tpu.memory_space<hbm>>
        %dma_wait3A_152 = tpu.memref_slice %arg9[%add3A_44] : memref<320000xf32, #tpu.memory_space<hbm>> -> memref<80xf32, #tpu.memory_space<hbm>>
        tpu.wait_dma2 semaphore(%run_scoped3A : memref<!tpu.dma_semaphore, #tpu.memory_space<semaphore_mem>>) src(%dma_wait3A_152 : memref<80xf32, #tpu.memory_space<hbm>>) dst(%arg18 : memref<80xf32, #tpu.memory_space<vmem>>)
        tpu.yield
      }) : () -> ()
      %get3A_50 = arith.constant 0 : index
      %get3A_51 = tpu.vector_load %arg16[%get3A_50] {strides = array<i32>} : memref<80xf32, #tpu.memory_space<vmem>>, vector<16xf32>,
      %get3A_52 = arith.constant 0 : index
      %get3A_53 = tpu.vector_load %arg15[%get3A_52] {strides = array<i32>} : memref<80xf32, #tpu.memory_space<vmem>>, vector<16xf32>,
      %mul3A_54 = arith.mulf %get3A_17, %get3A_53 : vector<16xf32>
      %exp3A = math.exp %mul3A_54 : vector<16xf32>
      %mul3A_55 = arith.mulf %get3A_51, %exp3A : vector<16xf32>
      %swap3A = arith.constant 0 : index
      %swap3A_56 = tpu.vector_load %arg19[%swap3A] {strides = array<i32>} : memref<80xf32, #tpu.memory_space<vmem>>, vector<16xf32>,
      tpu.vector_store %arg19[%swap3A], %mul3A_55 {strides = array<i32>} : memref<80xf32, #tpu.memory_space<vmem>>, vector<16xf32>,
      %get3A_57 = arith.constant 0 : index
      %get3A_58 = tpu.vector_load %arg18[%get3A_57] {strides = array<i32>} : memref<80xf32, #tpu.memory_space<vmem>>, vector<16xf32>,
      %get3A_59 = arith.constant 0 : index
      %get3A_60 = tpu.vector_load %arg17[%get3A_59] {strides = array<i32>} : memref<80xf32, #tpu.memory_space<vmem>>, vector<16xf32>,
      %mul3A_61 = arith.mulf %get3A_17, %get3A_60 : vector<16xf32>
      %exp3A_62 = math.exp %mul3A_61 : vector<16xf32>
      %mul3A_63 = arith.mulf %get3A_58, %exp3A_62 : vector<16xf32>
      %swap3A_64 = arith.constant 0 : index
      %swap3A_65 = tpu.vector_load %arg20[%swap3A_64] {strides = array<i32>} : memref<80xf32, #tpu.memory_space<vmem>>, vector<16xf32>,
      tpu.vector_store %arg20[%swap3A_64], %mul3A_63 {strides = array<i32>} : memref<80xf32, #tpu.memory_space<vmem>>, vector<16xf32>,
      %get3A_66 = arith.constant 16 : index
      %get3A_67 = tpu.vector_load %arg16[%get3A_66] {strides = array<i32>} : memref<80xf32, #tpu.memory_space<vmem>>, vector<16xf32>,
      %get3A_68 = arith.constant 16 : index
      %get3A_69 = tpu.vector_load %arg15[%get3A_68] {strides = array<i32>} : memref<80xf32, #tpu.memory_space<vmem>>, vector<16xf32>,
      %mul3A_70 = arith.mulf %get3A_17, %get3A_69 : vector<16xf32>
      %exp3A_71 = math.exp %mul3A_70 : vector<16xf32>
      %mul3A_72 = arith.mulf %get3A_67, %exp3A_71 : vector<16xf32>
      %swap3A_73 = arith.constant 16 : index
      %swap3A_74 = tpu.vector_load %arg19[%swap3A_73] {strides = array<i32>} : memref<80xf32, #tpu.memory_space<vmem>>, vector<16xf32>,
      tpu.vector_store %arg19[%swap3A_73], %mul3A_72 {strides = array<i32>} : memref<80xf32, #tpu.memory_space<vmem>>, vector<16xf32>,
      %get3A_75 = arith.constant 16 : index
      %get3A_76 = tpu.vector_load %arg18[%get3A_75] {strides = array<i32>} : memref<80xf32, #tpu.memory_space<vmem>>, vector<16xf32>,
      %get3A_77 = arith.constant 16 : index
      %get3A_78 = tpu.vector_load %arg17[%get3A_77] {strides = array<i32>} : memref<80xf32, #tpu.memory_space<vmem>>, vector<16xf32>,
      %mul3A_79 = arith.mulf %get3A_17, %get3A_78 : vector<16xf32>
      %exp3A_80 = math.exp %mul3A_79 : vector<16xf32>
      %mul3A_81 = arith.mulf %get3A_76, %exp3A_80 : vector<16xf32>
      %swap3A_82 = arith.constant 16 : index
      %swap3A_83 = tpu.vector_load %arg20[%swap3A_82] {strides = array<i32>} : memref<80xf32, #tpu.memory_space<vmem>>, vector<16xf32>,
      tpu.vector_store %arg20[%swap3A_82], %mul3A_81 {strides = array<i32>} : memref<80xf32, #tpu.memory_space<vmem>>, vector<16xf32>,
      %get3A_84 = arith.constant 32 : index
      %get3A_85 = tpu.vector_load %arg16[%get3A_84] {strides = array<i32>} : memref<80xf32, #tpu.memory_space<vmem>>, vector<16xf32>,
      %get3A_86 = arith.constant 32 : index
      %get3A_87 = tpu.vector_load %arg15[%get3A_86] {strides = array<i32>} : memref<80xf32, #tpu.memory_space<vmem>>, vector<16xf32>,
      %mul3A_88 = arith.mulf %get3A_17, %get3A_87 : vector<16xf32>
      %exp3A_89 = math.exp %mul3A_88 : vector<16xf32>
      %mul3A_90 = arith.mulf %get3A_85, %exp3A_89 : vector<16xf32>
      %swap3A_91 = arith.constant 32 : index
      %swap3A_92 = tpu.vector_load %arg19[%swap3A_91] {strides = array<i32>} : memref<80xf32, #tpu.memory_space<vmem>>, vector<16xf32>,
      tpu.vector_store %arg19[%swap3A_91], %mul3A_90 {strides = array<i32>} : memref<80xf32, #tpu.memory_space<vmem>>, vector<16xf32>,
      %get3A_93 = arith.constant 32 : index
      %get3A_94 = tpu.vector_load %arg18[%get3A_93] {strides = array<i32>} : memref<80xf32, #tpu.memory_space<vmem>>, vector<16xf32>,
      %get3A_95 = arith.constant 32 : index
      %get3A_96 = tpu.vector_load %arg17[%get3A_95] {strides = array<i32>} : memref<80xf32, #tpu.memory_space<vmem>>, vector<16xf32>,
      %mul3A_97 = arith.mulf %get3A_17, %get3A_96 : vector<16xf32>
      %exp3A_98 = math.exp %mul3A_97 : vector<16xf32>
      %mul3A_99 = arith.mulf %get3A_94, %exp3A_98 : vector<16xf32>
      %swap3A_100 = arith.constant 32 : index
      %swap3A_101 = tpu.vector_load %arg20[%swap3A_100] {strides = array<i32>} : memref<80xf32, #tpu.memory_space<vmem>>, vector<16xf32>,
      tpu.vector_store %arg20[%swap3A_100], %mul3A_99 {strides = array<i32>} : memref<80xf32, #tpu.memory_space<vmem>>, vector<16xf32>,
      %get3A_102 = arith.constant 48 : index
      %get3A_103 = tpu.vector_load %arg16[%get3A_102] {strides = array<i32>} : memref<80xf32, #tpu.memory_space<vmem>>, vector<16xf32>,
      %get3A_104 = arith.constant 48 : index
      %get3A_105 = tpu.vector_load %arg15[%get3A_104] {strides = array<i32>} : memref<80xf32, #tpu.memory_space<vmem>>, vector<16xf32>,
      %mul3A_106 = arith.mulf %get3A_17, %get3A_105 : vector<16xf32>
      %exp3A_107 = math.exp %mul3A_106 : vector<16xf32>
      %mul3A_108 = arith.mulf %get3A_103, %exp3A_107 : vector<16xf32>
      %swap3A_109 = arith.constant 48 : index
      %swap3A_110 = tpu.vector_load %arg19[%swap3A_109] {strides = array<i32>} : memref<80xf32, #tpu.memory_space<vmem>>, vector<16xf32>,
      tpu.vector_store %arg19[%swap3A_109], %mul3A_108 {strides = array<i32>} : memref<80xf32, #tpu.memory_space<vmem>>, vector<16xf32>,
      %get3A_111 = arith.constant 48 : index
      %get3A_112 = tpu.vector_load %arg18[%get3A_111] {strides = array<i32>} : memref<80xf32, #tpu.memory_space<vmem>>, vector<16xf32>,
      %get3A_113 = arith.constant 48 : index
      %get3A_114 = tpu.vector_load %arg17[%get3A_113] {strides = array<i32>} : memref<80xf32, #tpu.memory_space<vmem>>, vector<16xf32>,
      %mul3A_115 = arith.mulf %get3A_17, %get3A_114 : vector<16xf32>
      %exp3A_116 = math.exp %mul3A_115 : vector<16xf32>
      %mul3A_117 = arith.mulf %get3A_112, %exp3A_116 : vector<16xf32>
      %swap3A_118 = arith.constant 48 : index
      %swap3A_119 = tpu.vector_load %arg20[%swap3A_118] {strides = array<i32>} : memref<80xf32, #tpu.memory_space<vmem>>, vector<16xf32>,
      tpu.vector_store %arg20[%swap3A_118], %mul3A_117 {strides = array<i32>} : memref<80xf32, #tpu.memory_space<vmem>>, vector<16xf32>,
      %get3A_120 = arith.constant 64 : index
      %get3A_121 = tpu.vector_load %arg16[%get3A_120] {strides = array<i32>} : memref<80xf32, #tpu.memory_space<vmem>>, vector<16xf32>,
      %get3A_122 = arith.constant 64 : index
      %get3A_123 = tpu.vector_load %arg15[%get3A_122] {strides = array<i32>} : memref<80xf32, #tpu.memory_space<vmem>>, vector<16xf32>,
      %mul3A_124 = arith.mulf %get3A_17, %get3A_123 : vector<16xf32>
      %exp3A_125 = math.exp %mul3A_124 : vector<16xf32>
      %mul3A_126 = arith.mulf %get3A_121, %exp3A_125 : vector<16xf32>
      %swap3A_127 = arith.constant 64 : index
      %swap3A_128 = tpu.vector_load %arg19[%swap3A_127] {strides = array<i32>} : memref<80xf32, #tpu.memory_space<vmem>>, vector<16xf32>,
      tpu.vector_store %arg19[%swap3A_127], %mul3A_126 {strides = array<i32>} : memref<80xf32, #tpu.memory_space<vmem>>, vector<16xf32>,
      %get3A_129 = arith.constant 64 : index
      %get3A_130 = tpu.vector_load %arg18[%get3A_129] {strides = array<i32>} : memref<80xf32, #tpu.memory_space<vmem>>, vector<16xf32>,
      %get3A_131 = arith.constant 64 : index
      %get3A_132 = tpu.vector_load %arg17[%get3A_131] {strides = array<i32>} : memref<80xf32, #tpu.memory_space<vmem>>, vector<16xf32>,
      %mul3A_133 = arith.mulf %get3A_17, %get3A_132 : vector<16xf32>
      %exp3A_134 = math.exp %mul3A_133 : vector<16xf32>
      %mul3A_135 = arith.mulf %get3A_130, %exp3A_134 : vector<16xf32>
      %swap3A_136 = arith.constant 64 : index
      %swap3A_137 = tpu.vector_load %arg20[%swap3A_136] {strides = array<i32>} : memref<80xf32, #tpu.memory_space<vmem>>, vector<16xf32>,
      tpu.vector_store %arg20[%swap3A_136], %mul3A_135 {strides = array<i32>} : memref<80xf32, #tpu.memory_space<vmem>>, vector<16xf32>,
      %dma_wait3A = arith.constant 0 : i32
      %dma_wait3A_138 = arith.constant 0 : i32
      %dma_wait3A_139 = tpu.memref_slice %arg2[%dma_wait3A, %dma_wait3A_138] : memref<5000x128xf32, #tpu.memory_space<hbm>> -> memref<5000x128xf32, #tpu.memory_space<hbm>>
      tpu.wait_indirect_dma semaphore(%arg27 : memref<!tpu.dma_semaphore, #tpu.memory_space<semaphore_mem>>) src(%dma_wait3A_139 : memref<5000x128xf32, #tpu.memory_space<hbm>>) dst(%arg21 : memref<80x128xf32, #tpu.memory_space<vmem>>)
      %dma_wait3A_140 = arith.constant 0 : i32
      %dma_wait3A_141 = arith.constant 0 : i32
      %dma_wait3A_142 = tpu.memref_slice %arg3[%dma_wait3A_140, %dma_wait3A_141] : memref<5000x128xf32, #tpu.memory_space<hbm>> -> memref<5000x128xf32, #tpu.memory_space<hbm>>
      tpu.wait_indirect_dma semaphore(%arg28 : memref<!tpu.dma_semaphore, #tpu.memory_space<semaphore_mem>>) src(%dma_wait3A_142 : memref<5000x128xf32, #tpu.memory_space<hbm>>) dst(%arg22 : memref<80x128xf32, #tpu.memory_space<vmem>>)
      %scan3A_143 = arith.constant 0 : i32
      %scan3A_144 = arith.constant 0 : i32
      %scan3A_145 = arith.constant 80 : i32
      %scan3A_146 = arith.addi %scan3A_144, %scan3A_145 : i32
      %scan3A_147 = arith.constant 1 : i32
      scf.for %scan3A_149 = %scan3A_144 to %scan3A_146 step %scan3A_147  : i32 {
        %broadcast_in_dim3A = vector.broadcast %scan3A_149 : i32 to vector<16xi32>
        %gather3A = tpu.vector_load_idx %arg19[%broadcast_in_dim3A] : memref<80xf32, #tpu.memory_space<vmem>>[vector<16xi32>], vector<16xf32>,
        %gather3A_150 = tpu.vector_load_idx %arg20[%broadcast_in_dim3A] : memref<80xf32, #tpu.memory_space<vmem>>[vector<16xi32>], vector<16xf32>,
        %get3A_151 = arith.index_cast %scan3A_149 : i32 to index
        %get3A_152 = arith.constant 0 : index
        %get3A_153 = tpu.vector_load %arg21[%get3A_151, %get3A_152] {strides = array<i32>} : memref<80x128xf32, #tpu.memory_space<vmem>>, vector<16xf32>,
        %mul3A_154 = arith.mulf %get3A_153, %gather3A : vector<16xf32>
        %swap3A_155 = arith.index_cast %scan3A_149 : i32 to index
        %swap3A_156 = arith.constant 0 : index
        %swap3A_157 = tpu.vector_load %arg21[%swap3A_155, %swap3A_156] {strides = array<i32>} : memref<80x128xf32, #tpu.memory_space<vmem>>, vector<16xf32>,
        tpu.vector_store %arg21[%swap3A_155, %swap3A_156], %mul3A_154 {strides = array<i32>} : memref<80x128xf32, #tpu.memory_space<vmem>>, vector<16xf32>,
        %get3A_158 = arith.index_cast %scan3A_149 : i32 to index
        %get3A_159 = arith.constant 0 : index
        %get3A_160 = tpu.vector_load %arg22[%get3A_158, %get3A_159] {strides = array<i32>} : memref<80x128xf32, #tpu.memory_space<vmem>>, vector<16xf32>,
        %mul3A_161 = arith.mulf %get3A_160, %gather3A_150 : vector<16xf32>
        %swap3A_162 = arith.index_cast %scan3A_149 : i32 to index
        %swap3A_163 = arith.constant 0 : index
        %swap3A_164 = tpu.vector_load %arg22[%swap3A_162, %swap3A_163] {strides = array<i32>} : memref<80x128xf32, #tpu.memory_space<vmem>>, vector<16xf32>,
        tpu.vector_store %arg22[%swap3A_162, %swap3A_163], %mul3A_161 {strides = array<i32>} : memref<80x128xf32, #tpu.memory_space<vmem>>, vector<16xf32>,
        %get3A_165 = arith.index_cast %scan3A_149 : i32 to index
        %get3A_166 = arith.constant 16 : index
        %get3A_167 = tpu.vector_load %arg21[%get3A_165, %get3A_166] {strides = array<i32>} : memref<80x128xf32, #tpu.memory_space<vmem>>, vector<16xf32>,
        %mul3A_168 = arith.mulf %get3A_167, %gather3A : vector<16xf32>
        %swap3A_169 = arith.index_cast %scan3A_149 : i32 to index
        %swap3A_170 = arith.constant 16 : index
        %swap3A_171 = tpu.vector_load %arg21[%swap3A_169, %swap3A_170] {strides = array<i32>} : memref<80x128xf32, #tpu.memory_space<vmem>>, vector<16xf32>,
        tpu.vector_store %arg21[%swap3A_169, %swap3A_170], %mul3A_168 {strides = array<i32>} : memref<80x128xf32, #tpu.memory_space<vmem>>, vector<16xf32>,
        %get3A_172 = arith.index_cast %scan3A_149 : i32 to index
        %get3A_173 = arith.constant 16 : index
        %get3A_174 = tpu.vector_load %arg22[%get3A_172, %get3A_173] {strides = array<i32>} : memref<80x128xf32, #tpu.memory_space<vmem>>, vector<16xf32>,
        %mul3A_175 = arith.mulf %get3A_174, %gather3A_150 : vector<16xf32>
        %swap3A_176 = arith.index_cast %scan3A_149 : i32 to index
        %swap3A_177 = arith.constant 16 : index
        %swap3A_178 = tpu.vector_load %arg22[%swap3A_176, %swap3A_177] {strides = array<i32>} : memref<80x128xf32, #tpu.memory_space<vmem>>, vector<16xf32>,
        tpu.vector_store %arg22[%swap3A_176, %swap3A_177], %mul3A_175 {strides = array<i32>} : memref<80x128xf32, #tpu.memory_space<vmem>>, vector<16xf32>,
        %get3A_179 = arith.index_cast %scan3A_149 : i32 to index
        %get3A_180 = arith.constant 32 : index
        %get3A_181 = tpu.vector_load %arg21[%get3A_179, %get3A_180] {strides = array<i32>} : memref<80x128xf32, #tpu.memory_space<vmem>>, vector<16xf32>,
        %mul3A_182 = arith.mulf %get3A_181, %gather3A : vector<16xf32>
        %swap3A_183 = arith.index_cast %scan3A_149 : i32 to index
        %swap3A_184 = arith.constant 32 : index
        %swap3A_185 = tpu.vector_load %arg21[%swap3A_183, %swap3A_184] {strides = array<i32>} : memref<80x128xf32, #tpu.memory_space<vmem>>, vector<16xf32>,
        tpu.vector_store %arg21[%swap3A_183, %swap3A_184], %mul3A_182 {strides = array<i32>} : memref<80x128xf32, #tpu.memory_space<vmem>>, vector<16xf32>,
        %get3A_186 = arith.index_cast %scan3A_149 : i32 to index
        %get3A_187 = arith.constant 32 : index
        %get3A_188 = tpu.vector_load %arg22[%get3A_186, %get3A_187] {strides = array<i32>} : memref<80x128xf32, #tpu.memory_space<vmem>>, vector<16xf32>,
        %mul3A_189 = arith.mulf %get3A_188, %gather3A_150 : vector<16xf32>
        %swap3A_190 = arith.index_cast %scan3A_149 : i32 to index
        %swap3A_191 = arith.constant 32 : index
        %swap3A_192 = tpu.vector_load %arg22[%swap3A_190, %swap3A_191] {strides = array<i32>} : memref<80x128xf32, #tpu.memory_space<vmem>>, vector<16xf32>,
        tpu.vector_store %arg22[%swap3A_190, %swap3A_191], %mul3A_189 {strides = array<i32>} : memref<80x128xf32, #tpu.memory_space<vmem>>, vector<16xf32>,
        %get3A_193 = arith.index_cast %scan3A_149 : i32 to index
        %get3A_194 = arith.constant 48 : index
        %get3A_195 = tpu.vector_load %arg21[%get3A_193, %get3A_194] {strides = array<i32>} : memref<80x128xf32, #tpu.memory_space<vmem>>, vector<16xf32>,
        %mul3A_196 = arith.mulf %get3A_195, %gather3A : vector<16xf32>
        %swap3A_197 = arith.index_cast %scan3A_149 : i32 to index
        %swap3A_198 = arith.constant 48 : index
        %swap3A_199 = tpu.vector_load %arg21[%swap3A_197, %swap3A_198] {strides = array<i32>} : memref<80x128xf32, #tpu.memory_space<vmem>>, vector<16xf32>,
        tpu.vector_store %arg21[%swap3A_197, %swap3A_198], %mul3A_196 {strides = array<i32>} : memref<80x128xf32, #tpu.memory_space<vmem>>, vector<16xf32>,
        %get3A_200 = arith.index_cast %scan3A_149 : i32 to index
        %get3A_201 = arith.constant 48 : index
        %get3A_202 = tpu.vector_load %arg22[%get3A_200, %get3A_201] {strides = array<i32>} : memref<80x128xf32, #tpu.memory_space<vmem>>, vector<16xf32>,
        %mul3A_203 = arith.mulf %get3A_202, %gather3A_150 : vector<16xf32>
        %swap3A_204 = arith.index_cast %scan3A_149 : i32 to index
        %swap3A_205 = arith.constant 48 : index
        %swap3A_206 = tpu.vector_load %arg22[%swap3A_204, %swap3A_205] {strides = array<i32>} : memref<80x128xf32, #tpu.memory_space<vmem>>, vector<16xf32>,
        tpu.vector_store %arg22[%swap3A_204, %swap3A_205], %mul3A_203 {strides = array<i32>} : memref<80x128xf32, #tpu.memory_space<vmem>>, vector<16xf32>,
        %get3A_207 = arith.index_cast %scan3A_149 : i32 to index
        %get3A_208 = arith.constant 64 : index
        %get3A_209 = tpu.vector_load %arg21[%get3A_207, %get3A_208] {strides = array<i32>} : memref<80x128xf32, #tpu.memory_space<vmem>>, vector<16xf32>,
        %mul3A_210 = arith.mulf %get3A_209, %gather3A : vector<16xf32>
        %swap3A_211 = arith.index_cast %scan3A_149 : i32 to index
        %swap3A_212 = arith.constant 64 : index
        %swap3A_213 = tpu.vector_load %arg21[%swap3A_211, %swap3A_212] {strides = array<i32>} : memref<80x128xf32, #tpu.memory_space<vmem>>, vector<16xf32>,
        tpu.vector_store %arg21[%swap3A_211, %swap3A_212], %mul3A_210 {strides = array<i32>} : memref<80x128xf32, #tpu.memory_space<vmem>>, vector<16xf32>,
        %get3A_214 = arith.index_cast %scan3A_149 : i32 to index
        %get3A_215 = arith.constant 64 : index
        %get3A_216 = tpu.vector_load %arg22[%get3A_214, %get3A_215] {strides = array<i32>} : memref<80x128xf32, #tpu.memory_space<vmem>>, vector<16xf32>,
        %mul3A_217 = arith.mulf %get3A_216, %gather3A_150 : vector<16xf32>
        %swap3A_218 = arith.index_cast %scan3A_149 : i32 to index
        %swap3A_219 = arith.constant 64 : index
        %swap3A_220 = tpu.vector_load %arg22[%swap3A_218, %swap3A_219] {strides = array<i32>} : memref<80x128xf32, #tpu.memory_space<vmem>>, vector<16xf32>,
        tpu.vector_store %arg22[%swap3A_218, %swap3A_219], %mul3A_217 {strides = array<i32>} : memref<80x128xf32, #tpu.memory_space<vmem>>, vector<16xf32>,
        %get3A_221 = arith.index_cast %scan3A_149 : i32 to index
        %get3A_222 = arith.constant 80 : index
        %get3A_223 = tpu.vector_load %arg21[%get3A_221, %get3A_222] {strides = array<i32>} : memref<80x128xf32, #tpu.memory_space<vmem>>, vector<16xf32>,
        %mul3A_224 = arith.mulf %get3A_223, %gather3A : vector<16xf32>
        %swap3A_225 = arith.index_cast %scan3A_149 : i32 to index
        %swap3A_226 = arith.constant 80 : index
        %swap3A_227 = tpu.vector_load %arg21[%swap3A_225, %swap3A_226] {strides = array<i32>} : memref<80x128xf32, #tpu.memory_space<vmem>>, vector<16xf32>,
        tpu.vector_store %arg21[%swap3A_225, %swap3A_226], %mul3A_224 {strides = array<i32>} : memref<80x128xf32, #tpu.memory_space<vmem>>, vector<16xf32>,
        %get3A_228 = arith.index_cast %scan3A_149 : i32 to index
        %get3A_229 = arith.constant 80 : index
        %get3A_230 = tpu.vector_load %arg22[%get3A_228, %get3A_229] {strides = array<i32>} : memref<80x128xf32, #tpu.memory_space<vmem>>, vector<16xf32>,
        %mul3A_231 = arith.mulf %get3A_230, %gather3A_150 : vector<16xf32>
        %swap3A_232 = arith.index_cast %scan3A_149 : i32 to index
        %swap3A_233 = arith.constant 80 : index
        %swap3A_234 = tpu.vector_load %arg22[%swap3A_232, %swap3A_233] {strides = array<i32>} : memref<80x128xf32, #tpu.memory_space<vmem>>, vector<16xf32>,
        tpu.vector_store %arg22[%swap3A_232, %swap3A_233], %mul3A_231 {strides = array<i32>} : memref<80x128xf32, #tpu.memory_space<vmem>>, vector<16xf32>,
        %get3A_235 = arith.index_cast %scan3A_149 : i32 to index
        %get3A_236 = arith.constant 96 : index
        %get3A_237 = tpu.vector_load %arg21[%get3A_235, %get3A_236] {strides = array<i32>} : memref<80x128xf32, #tpu.memory_space<vmem>>, vector<16xf32>,
        %mul3A_238 = arith.mulf %get3A_237, %gather3A : vector<16xf32>
        %swap3A_239 = arith.index_cast %scan3A_149 : i32 to index
        %swap3A_240 = arith.constant 96 : index
        %swap3A_241 = tpu.vector_load %arg21[%swap3A_239, %swap3A_240] {strides = array<i32>} : memref<80x128xf32, #tpu.memory_space<vmem>>, vector<16xf32>,
        tpu.vector_store %arg21[%swap3A_239, %swap3A_240], %mul3A_238 {strides = array<i32>} : memref<80x128xf32, #tpu.memory_space<vmem>>, vector<16xf32>,
        %get3A_242 = arith.index_cast %scan3A_149 : i32 to index
        %get3A_243 = arith.constant 96 : index
        %get3A_244 = tpu.vector_load %arg22[%get3A_242, %get3A_243] {strides = array<i32>} : memref<80x128xf32, #tpu.memory_space<vmem>>, vector<16xf32>,
        %mul3A_245 = arith.mulf %get3A_244, %gather3A_150 : vector<16xf32>
        %swap3A_246 = arith.index_cast %scan3A_149 : i32 to index
        %swap3A_247 = arith.constant 96 : index
        %swap3A_248 = tpu.vector_load %arg22[%swap3A_246, %swap3A_247] {strides = array<i32>} : memref<80x128xf32, #tpu.memory_space<vmem>>, vector<16xf32>,
        tpu.vector_store %arg22[%swap3A_246, %swap3A_247], %mul3A_245 {strides = array<i32>} : memref<80x128xf32, #tpu.memory_space<vmem>>, vector<16xf32>,
        %get3A_249 = arith.index_cast %scan3A_149 : i32 to index
        %get3A_250 = arith.constant 112 : index
        %get3A_251 = tpu.vector_load %arg21[%get3A_249, %get3A_250] {strides = array<i32>} : memref<80x128xf32, #tpu.memory_space<vmem>>, vector<16xf32>,
        %mul3A_252 = arith.mulf %get3A_251, %gather3A : vector<16xf32>
        %swap3A_253 = arith.index_cast %scan3A_149 : i32 to index
        %swap3A_254 = arith.constant 112 : index
        %swap3A_255 = tpu.vector_load %arg21[%swap3A_253, %swap3A_254] {strides = array<i32>} : memref<80x128xf32, #tpu.memory_space<vmem>>, vector<16xf32>,
        tpu.vector_store %arg21[%swap3A_253, %swap3A_254], %mul3A_252 {strides = array<i32>} : memref<80x128xf32, #tpu.memory_space<vmem>>, vector<16xf32>,
        %get3A_256 = arith.index_cast %scan3A_149 : i32 to index
        %get3A_257 = arith.constant 112 : index
        %get3A_258 = tpu.vector_load %arg22[%get3A_256, %get3A_257] {strides = array<i32>} : memref<80x128xf32, #tpu.memory_space<vmem>>, vector<16xf32>,
        %mul3A_259 = arith.mulf %get3A_258, %gather3A_150 : vector<16xf32>
        %swap3A_260 = arith.index_cast %scan3A_149 : i32 to index
        %swap3A_261 = arith.constant 112 : index
        %swap3A_262 = tpu.vector_load %arg22[%swap3A_260, %swap3A_261] {strides = array<i32>} : memref<80x128xf32, #tpu.memory_space<vmem>>, vector<16xf32>,
        tpu.vector_store %arg22[%swap3A_260, %swap3A_261], %mul3A_259 {strides = array<i32>} : memref<80x128xf32, #tpu.memory_space<vmem>>, vector<16xf32>,
      }
      %scan3A_148 = arith.constant 80 : i32
      "tpu.region"() ({
        %run_scoped3A = tpu.sem_alloc : memref<!tpu.dma_semaphore, #tpu.memory_space<semaphore_mem>>
        %dma_start3A_149 = arith.constant 0 : i32
        %dma_start3A_150 = arith.constant 0 : i32
        %dma_start3A_151 = tpu.memref_slice %arg26[%dma_start3A_149, %dma_start3A_150] : memref<5000x128xf32, #tpu.memory_space<vmem_shared>> -> memref<5000x128xf32, #tpu.memory_space<vmem_shared>>
        tpu.enqueue_indirect_dma source(%arg21 : memref<80x128xf32, #tpu.memory_space<vmem>>) target(%dma_start3A_151 : memref<5000x128xf32, #tpu.memory_space<vmem_shared>>) offsets(%arg14 : memref<80xi32, #tpu.memory_space<vmem>>) semaphore(%run_scoped3A : memref<!tpu.dma_semaphore, #tpu.memory_space<semaphore_mem>>) {add = true}
        %dma_wait3A_152 = arith.constant 0 : i32
        %dma_wait3A_153 = arith.constant 0 : i32
        %dma_wait3A_154 = tpu.memref_slice %arg26[%dma_wait3A_152, %dma_wait3A_153] : memref<5000x128xf32, #tpu.memory_space<vmem_shared>> -> memref<5000x128xf32, #tpu.memory_space<vmem_shared>>
        tpu.wait_indirect_dma semaphore(%run_scoped3A : memref<!tpu.dma_semaphore, #tpu.memory_space<semaphore_mem>>) src(%arg21 : memref<80x128xf32, #tpu.memory_space<vmem>>) dst(%dma_wait3A_154 : memref<5000x128xf32, #tpu.memory_space<vmem_shared>>)
        tpu.yield
      }) : () -> ()
      "tpu.region"() ({
        %run_scoped3A = tpu.sem_alloc : memref<!tpu.dma_semaphore, #tpu.memory_space<semaphore_mem>>
        %dma_start3A_149 = arith.constant 0 : i32
        %dma_start3A_150 = arith.constant 0 : i32
        %dma_start3A_151 = tpu.memref_slice %arg25[%dma_start3A_149, %dma_start3A_150] : memref<5000x128xf32, #tpu.memory_space<vmem_shared>> -> memref<5000x128xf32, #tpu.memory_space<vmem_shared>>
        tpu.enqueue_indirect_dma source(%arg22 : memref<80x128xf32, #tpu.memory_space<vmem>>) target(%dma_start3A_151 : memref<5000x128xf32, #tpu.memory_space<vmem_shared>>) offsets(%arg13 : memref<80xi32, #tpu.memory_space<vmem>>) semaphore(%run_scoped3A : memref<!tpu.dma_semaphore, #tpu.memory_space<semaphore_mem>>) {add = true}
        %dma_wait3A_152 = arith.constant 0 : i32
        %dma_wait3A_153 = arith.constant 0 : i32
        %dma_wait3A_154 = tpu.memref_slice %arg25[%dma_wait3A_152, %dma_wait3A_153] : memref<5000x128xf32, #tpu.memory_space<vmem_shared>> -> memref<5000x128xf32, #tpu.memory_space<vmem_shared>>
        tpu.wait_indirect_dma semaphore(%run_scoped3A : memref<!tpu.dma_semaphore, #tpu.memory_space<semaphore_mem>>) src(%arg22 : memref<80x128xf32, #tpu.memory_space<vmem>>) dst(%dma_wait3A_154 : memref<5000x128xf32, #tpu.memory_space<vmem_shared>>)
        tpu.yield
      }) : () -> ()
    }
    %scan3A_25 = arith.constant 125 : i32
    %barrier3A_26 = arith.constant 0 : index
    tpu.barrier barrier_id(%barrier3A_26)
    %add3A_27 = arith.constant 0 : i32
    %add3A_28 = arith.addi %arg1, %add3A_27 : i32
    %lt3A_29 = arith.constant 25 : i32
    %lt3A_30 = arith.cmpi slt, %add3A_28, %lt3A_29 : i32
    %convert_element_type3A_31 = arith.extui %lt3A_30 : i1 to i32
    %cond3A_32 = arith.constant 0 : i32
    %cond3A_33 = arith.cmpi ne, %convert_element_type3A_31, %cond3A_32 : i32
    scf.if %cond3A_33 {
      %mul3A_41 = arith.constant 200 : i32
      %mul3A_42 = arith.muli %add3A_28, %mul3A_41 : i32
      "tpu.region"() ({
        %run_scoped3A = tpu.sem_alloc : memref<!tpu.dma_semaphore, #tpu.memory_space<semaphore_mem>>
        %dma_start3A = arith.constant 0 : i32
        %dma_start3A_43 = tpu.memref_slice %arg11[%arg0, %mul3A_42, %dma_start3A] : memref<2x5000x128xf32, #tpu.memory_space<hbm>> -> memref<1x200x128xf32, #tpu.memory_space<hbm>>
        %dma_start3A_44 = tpu.memref_squeeze %dma_start3A_43 : memref<1x200x128xf32, #tpu.memory_space<hbm>> -> memref<200x128xf32, #tpu.memory_space<hbm>>
        %dma_start3A_45 = arith.constant 0 : i32
        %dma_start3A_46 = tpu.memref_slice %arg25[%mul3A_42, %dma_start3A_45] : memref<5000x128xf32, #tpu.memory_space<vmem_shared>> -> memref<200x128xf32, #tpu.memory_space<vmem_shared>>
        tpu.enqueue_dma source(%dma_start3A_46 : memref<200x128xf32, #tpu.memory_space<vmem_shared>>) target(%dma_start3A_44 : memref<200x128xf32, #tpu.memory_space<hbm>>) target_semaphore(%run_scoped3A : memref<!tpu.dma_semaphore, #tpu.memory_space<semaphore_mem>>)
        %dma_wait3A = arith.constant 0 : i32
        %dma_wait3A_47 = tpu.memref_slice %arg11[%arg0, %mul3A_42, %dma_wait3A] : memref<2x5000x128xf32, #tpu.memory_space<hbm>> -> memref<1x200x128xf32, #tpu.memory_space<hbm>>
        %dma_wait3A_48 = tpu.memref_squeeze %dma_wait3A_47 : memref<1x200x128xf32, #tpu.memory_space<hbm>> -> memref<200x128xf32, #tpu.memory_space<hbm>>
        %dma_wait3A_49 = arith.constant 0 : i32
        %dma_wait3A_50 = tpu.memref_slice %arg25[%mul3A_42, %dma_wait3A_49] : memref<5000x128xf32, #tpu.memory_space<vmem_shared>> -> memref<200x128xf32, #tpu.memory_space<vmem_shared>>
        tpu.wait_dma2 semaphore(%run_scoped3A : memref<!tpu.dma_semaphore, #tpu.memory_space<semaphore_mem>>) src(%dma_wait3A_50 : memref<200x128xf32, #tpu.memory_space<vmem_shared>>) dst(%dma_wait3A_48 : memref<200x128xf32, #tpu.memory_space<hbm>>)
        tpu.yield
      }) : () -> ()
      "tpu.region"() ({
        %run_scoped3A = tpu.sem_alloc : memref<!tpu.dma_semaphore, #tpu.memory_space<semaphore_mem>>
        %dma_start3A = arith.constant 0 : i32
        %dma_start3A_43 = tpu.memref_slice %arg12[%arg0, %mul3A_42, %dma_start3A] : memref<2x5000x128xf32, #tpu.memory_space<hbm>> -> memref<1x200x128xf32, #tpu.memory_space<hbm>>
        %dma_start3A_44 = tpu.memref_squeeze %dma_start3A_43 : memref<1x200x128xf32, #tpu.memory_space<hbm>> -> memref<200x128xf32, #tpu.memory_space<hbm>>
        %dma_start3A_45 = arith.constant 0 : i32
        %dma_start3A_46 = tpu.memref_slice %arg26[%mul3A_42, %dma_start3A_45] : memref<5000x128xf32, #tpu.memory_space<vmem_shared>> -> memref<200x128xf32, #tpu.memory_space<vmem_shared>>
        tpu.enqueue_dma source(%dma_start3A_46 : memref<200x128xf32, #tpu.memory_space<vmem_shared>>) target(%dma_start3A_44 : memref<200x128xf32, #tpu.memory_space<hbm>>) target_semaphore(%run_scoped3A : memref<!tpu.dma_semaphore, #tpu.memory_space<semaphore_mem>>)
        %dma_wait3A = arith.constant 0 : i32
        %dma_wait3A_47 = tpu.memref_slice %arg12[%arg0, %mul3A_42, %dma_wait3A] : memref<2x5000x128xf32, #tpu.memory_space<hbm>> -> memref<1x200x128xf32, #tpu.memory_space<hbm>>
        %dma_wait3A_48 = tpu.memref_squeeze %dma_wait3A_47 : memref<1x200x128xf32, #tpu.memory_space<hbm>> -> memref<200x128xf32, #tpu.memory_space<hbm>>
        %dma_wait3A_49 = arith.constant 0 : i32
        %dma_wait3A_50 = tpu.memref_slice %arg26[%mul3A_42, %dma_wait3A_49] : memref<5000x128xf32, #tpu.memory_space<vmem_shared>> -> memref<200x128xf32, #tpu.memory_space<vmem_shared>>
        tpu.wait_dma2 semaphore(%run_scoped3A : memref<!tpu.dma_semaphore, #tpu.memory_space<semaphore_mem>>) src(%dma_wait3A_50 : memref<200x128xf32, #tpu.memory_space<vmem_shared>>) dst(%dma_wait3A_48 : memref<200x128xf32, #tpu.memory_space<hbm>>)
        tpu.yield
      }) : () -> ()
    } else {
    }
    %add3A_34 = arith.constant 16 : i32
    %add3A_35 = arith.addi %arg1, %add3A_34 : i32
    %lt3A_36 = arith.constant 25 : i32
    %lt3A_37 = arith.cmpi slt, %add3A_35, %lt3A_36 : i32
    %convert_element_type3A_38 = arith.extui %lt3A_37 : i1 to i32
    %cond3A_39 = arith.constant 0 : i32
    %cond3A_40 = arith.cmpi ne, %convert_element_type3A_38, %cond3A_39 : i32
    scf.if %cond3A_40 {
      %mul3A_41 = arith.constant 200 : i32
      %mul3A_42 = arith.muli %add3A_35, %mul3A_41 : i32
      "tpu.region"() ({
        %run_scoped3A = tpu.sem_alloc : memref<!tpu.dma_semaphore, #tpu.memory_space<semaphore_mem>>
        %dma_start3A = arith.constant 0 : i32
        %dma_start3A_43 = tpu.memref_slice %arg11[%arg0, %mul3A_42, %dma_start3A] : memref<2x5000x128xf32, #tpu.memory_space<hbm>> -> memref<1x200x128xf32, #tpu.memory_space<hbm>>
        %dma_start3A_44 = tpu.memref_squeeze %dma_start3A_43 : memref<1x200x128xf32, #tpu.memory_space<hbm>> -> memref<200x128xf32, #tpu.memory_space<hbm>>
        %dma_start3A_45 = arith.constant 0 : i32
        %dma_start3A_46 = tpu.memref_slice %arg25[%mul3A_42, %dma_start3A_45] : memref<5000x128xf32, #tpu.memory_space<vmem_shared>> -> memref<200x128xf32, #tpu.memory_space<vmem_shared>>
        tpu.enqueue_dma source(%dma_start3A_46 : memref<200x128xf32, #tpu.memory_space<vmem_shared>>) target(%dma_start3A_44 : memref<200x128xf32, #tpu.memory_space<hbm>>) target_semaphore(%run_scoped3A : memref<!tpu.dma_semaphore, #tpu.memory_space<semaphore_mem>>)
        %dma_wait3A = arith.constant 0 : i32
        %dma_wait3A_47 = tpu.memref_slice %arg11[%arg0, %mul3A_42, %dma_wait3A] : memref<2x5000x128xf32, #tpu.memory_space<hbm>> -> memref<1x200x128xf32, #tpu.memory_space<hbm>>
        %dma_wait3A_48 = tpu.memref_squeeze %dma_wait3A_47 : memref<1x200x128xf32, #tpu.memory_space<hbm>> -> memref<200x128xf32, #tpu.memory_space<hbm>>
        %dma_wait3A_49 = arith.constant 0 : i32
        %dma_wait3A_50 = tpu.memref_slice %arg25[%mul3A_42, %dma_wait3A_49] : memref<5000x128xf32, #tpu.memory_space<vmem_shared>> -> memref<200x128xf32, #tpu.memory_space<vmem_shared>>
        tpu.wait_dma2 semaphore(%run_scoped3A : memref<!tpu.dma_semaphore, #tpu.memory_space<semaphore_mem>>) src(%dma_wait3A_50 : memref<200x128xf32, #tpu.memory_space<vmem_shared>>) dst(%dma_wait3A_48 : memref<200x128xf32, #tpu.memory_space<hbm>>)
        tpu.yield
      }) : () -> ()
      "tpu.region"() ({
        %run_scoped3A = tpu.sem_alloc : memref<!tpu.dma_semaphore, #tpu.memory_space<semaphore_mem>>
        %dma_start3A = arith.constant 0 : i32
        %dma_start3A_43 = tpu.memref_slice %arg12[%arg0, %mul3A_42, %dma_start3A] : memref<2x5000x128xf32, #tpu.memory_space<hbm>> -> memref<1x200x128xf32, #tpu.memory_space<hbm>>
        %dma_start3A_44 = tpu.memref_squeeze %dma_start3A_43 : memref<1x200x128xf32, #tpu.memory_space<hbm>> -> memref<200x128xf32, #tpu.memory_space<hbm>>
        %dma_start3A_45 = arith.constant 0 : i32
        %dma_start3A_46 = tpu.memref_slice %arg26[%mul3A_42, %dma_start3A_45] : memref<5000x128xf32, #tpu.memory_space<vmem_shared>> -> memref<200x128xf32, #tpu.memory_space<vmem_shared>>
        tpu.enqueue_dma source(%dma_start3A_46 : memref<200x128xf32, #tpu.memory_space<vmem_shared>>) target(%dma_start3A_44 : memref<200x128xf32, #tpu.memory_space<hbm>>) target_semaphore(%run_scoped3A : memref<!tpu.dma_semaphore, #tpu.memory_space<semaphore_mem>>)
        %dma_wait3A = arith.constant 0 : i32
        %dma_wait3A_47 = tpu.memref_slice %arg12[%arg0, %mul3A_42, %dma_wait3A] : memref<2x5000x128xf32, #tpu.memory_space<hbm>> -> memref<1x200x128xf32, #tpu.memory_space<hbm>>
        %dma_wait3A_48 = tpu.memref_squeeze %dma_wait3A_47 : memref<1x200x128xf32, #tpu.memory_space<hbm>> -> memref<200x128xf32, #tpu.memory_space<hbm>>
        %dma_wait3A_49 = arith.constant 0 : i32
        %dma_wait3A_50 = tpu.memref_slice %arg26[%mul3A_42, %dma_wait3A_49] : memref<5000x128xf32, #tpu.memory_space<vmem_shared>> -> memref<200x128xf32, #tpu.memory_space<vmem_shared>>
        tpu.wait_dma2 semaphore(%run_scoped3A : memref<!tpu.dma_semaphore, #tpu.memory_space<semaphore_mem>>) src(%dma_wait3A_50 : memref<200x128xf32, #tpu.memory_space<vmem_shared>>) dst(%dma_wait3A_48 : memref<200x128xf32, #tpu.memory_space<hbm>>)
        tpu.yield
      }) : () -> ()
    } else {
    }
    return
  }
}

module attributes {stable_mosaic.version = 14 : i64} {
  func.func @_combine_body(%arg0: memref<2x5000x128xf32, #tpu.memory_space<vmem>>, %arg1: memref<2x5000x128xf32, #tpu.memory_space<vmem>>, %arg2: memref<5000x128xf32, #tpu.memory_space<vmem>>, %arg3: memref<5000x128xf32, #tpu.memory_space<vmem>>) attributes {dimension_semantics = [], scalar_prefetch = 0 : i64, scratch_operands = 0 : i64, tpu.core_type = #tpu.core_type<tc>} {
    %get3A = arith.constant 0 : index
    %get3A_0 = arith.constant 0 : index
    %get3A_1 = arith.constant 0 : index
    %get3A_2 = vector.load %arg0[%get3A, %get3A_0, %get3A_1] : memref<2x5000x128xf32, #tpu.memory_space<vmem>>, vector<1x5000x128xf32>
    %get3A_3 = vector.shape_cast %get3A_2 : vector<1x5000x128xf32> to vector<5000x128xf32>
    %get3A_4 = arith.constant 1 : index
    %get3A_5 = arith.constant 0 : index
    %get3A_6 = arith.constant 0 : index
    %get3A_7 = vector.load %arg0[%get3A_4, %get3A_5, %get3A_6] : memref<2x5000x128xf32, #tpu.memory_space<vmem>>, vector<1x5000x128xf32>
    %get3A_8 = vector.shape_cast %get3A_7 : vector<1x5000x128xf32> to vector<5000x128xf32>
    %add3A = arith.addf %get3A_3, %get3A_8 : vector<5000x128xf32>
    %swap3A = arith.constant 0 : index
    %swap3A_9 = arith.constant 0 : index
    %swap3A_10 = vector.load %arg2[%swap3A, %swap3A_9] : memref<5000x128xf32, #tpu.memory_space<vmem>>, vector<5000x128xf32>
    tpu.vector_store %arg2[%swap3A, %swap3A_9], %add3A {strides = array<i32>} : memref<5000x128xf32, #tpu.memory_space<vmem>>, vector<5000x128xf32>,
    %get3A_11 = arith.constant 0 : index
    %get3A_12 = arith.constant 0 : index
    %get3A_13 = arith.constant 0 : index
    %get3A_14 = vector.load %arg1[%get3A_11, %get3A_12, %get3A_13] : memref<2x5000x128xf32, #tpu.memory_space<vmem>>, vector<1x5000x128xf32>
    %get3A_15 = vector.shape_cast %get3A_14 : vector<1x5000x128xf32> to vector<5000x128xf32>
    %get3A_16 = arith.constant 1 : index
    %get3A_17 = arith.constant 0 : index
    %get3A_18 = arith.constant 0 : index
    %get3A_19 = vector.load %arg1[%get3A_16, %get3A_17, %get3A_18] : memref<2x5000x128xf32, #tpu.memory_space<vmem>>, vector<1x5000x128xf32>
    %get3A_20 = vector.shape_cast %get3A_19 : vector<1x5000x128xf32> to vector<5000x128xf32>
    %add3A_21 = arith.addf %get3A_15, %get3A_20 : vector<5000x128xf32>
    %swap3A_22 = arith.constant 0 : index
    %swap3A_23 = arith.constant 0 : index
    %swap3A_24 = vector.load %arg3[%swap3A_22, %swap3A_23] : memref<5000x128xf32, #tpu.memory_space<vmem>>, vector<5000x128xf32>
    tpu.vector_store %arg3[%swap3A_22, %swap3A_23], %add3A_21 {strides = array<i32>} : memref<5000x128xf32, #tpu.memory_space<vmem>>, vector<5000x128xf32>,
    return
  }
}

</mosaic_0001>

<sc_bundles>
// kernel: kernel.4.cloned.1.call-start
scs
__scs_entry_jumppad:
0x0: {  	(pc) =	sbr.rel $0x88, $3  }
0x1: {  	(tag) =	ssettag $0x0;
	lr =	simm.s32 $0x1  }
0x2: {  	[smem:$0x3F98] =	sst lr;
	_ =	strace $0xD0000000  }
0x3: {  	_ = 	snop  }
0x4: {  	_ = 	snop  }
0x5: {  	_ = 	snop  }
0x6: {  	_ = 	snop  }
0x7: {  	_ = 	snop  }
__scs_overlays_trampoline_lowered:
0x8: {  	[smem:$0x3FA7] =	sst s0  }
0x9: {  	[smem:$0x3FA8] =	sst s1  }
0xa: {  	[smem:$0x3FA9] =	sst s2  }
0xb: {  	[smem:$0x3FAA] =	sst s3  }
0xc: {  	[smem:$0x3FAB] =	sst s4  }
0xd: {  	[smem:$0x3FAC] =	sst s5  }
0xe: {  	[smem:$0x3FAD] =	sst s6  }
0xf: {  	[smem:$0x3FAE] =	sst s7  }
0x10: {  	[smem:$0x3FAF] =	sst s8  }
0x11: {  	[smem:$0x3FB0] =	sst s9;
	s0 =	simm.s32 @!p0 $0x0  }
0x12: {  	s1 =	sld [smem:$0x3F96];
	s0 =	simm.s32 @p0 $0x1  }
0x13: {  	[smem:$0x3FB1] =	sst s0;
	s0 =	simm.s32 @!p1 $0x0  }
0x14: {  	s2 =	sld [smem:$0x3F95];
	s0 =	simm.s32 @p1 $0x1  }
0x15: {  	[smem:$0x3FB2] =	sst s0;
	s0 =	simm.s32 @!p2 $0x0  }
0x16: {  	s3 =	sld [smem:$0x3FDB];
	s0 =	simm.s32 @p2 $0x1  }
0x17: {  	s4 =	simm.s32 $0x1BF5;
	[smem:$0x3FB4] =	sst s0  }
0x18: {  	s0 =	sld [smem:$0x3F97];
	_ =	swait.ge [sflag:s4], $0x0  }
0x19: {  	s7 =	sld [smem:$0x3F98]  }
0x1a: {  	s8 =	sadd.s32 $0xFFFFE003, lr  }
0x1b: {  	s9 =	sadd.s32 $0xFFFFFEF7, lr;
	s5 =	simm.s32 $0xFFFFFFFF;
	p2 =	slt.u32 s8, $0xFFFFF086  }
0x1c: {  	p1 =	slt.u32 s9, $0xF7A;
	s5 =	simm.s32 @!p2 $0x0  }
0x1d: {  	s5 =	simm.s32 @p1 $0x1;
	p0 =	seq.s32 s7, s2  }
0x1e: {  	s7 =	smul.u32 @!p0 $0xF7A, s2;
	p2 =	seq.s32 @!p0 s5, $0x0  }
0x1f: {  	s9 =	smul.u32 $0xF7A, s1;
	s8 =	simm.s32 @!p0 $0x1BF5;
	p2 =	por !p2, p0  }
0x20: {  	[sflag:s8] =	ssyncset.s32 @!p0 $0xFFFFF086;
	s6 =	sadd.s32 @!p0 s3, s7;
	s7 =	simm.s32 @!p0 $0x108  }
0x21: {  	s3 =	sadd.s32 s3, s9;
	s6 =	sadd.s32 @!p0 $0x88, s6;
	s7 =	simm.s32 @p2 $0x1082  }
0x22: {  	[simem:s7], [sflag:s8] =	dma.local @!p0 [hbm:s6], $0xF7A  }
0x23: {  	s9 =	sor.u32 $0xD0000000, s2;
	s6 =	simm.s32 $0x108;
	_ =	swait.ge @!p0 [sflag:s8], $0x0  }
0x24: {  	s3 =	sadd.s32 $0x88, s3;
	s6 =	simm.s32 @!p1 $0x1082;
	[sflag:s4] =	ssyncset.s32 $0xFFFFF086  }
0x25: {  	[simem:s6], [sflag:s4] =	dma.local [hbm:s3], $0xF7A  }
0x26: {  	[smem:$0x3F98] =	sst s1;
	(tag) =	ssettag s2;
	_ =	strace s9  }
0x27: {  	s1 =	sld [smem:$0x3FA8]  }
0x28: {  	s2 =	sld [smem:$0x3FA9]  }
0x29: {  	s4 =	sld [smem:$0x3FAB]  }
0x2a: {  	p0 =	seq.s32 s5, $0x0;
	s5 =	sld [smem:$0x3FAC]  }
0x2b: {  	s6 =	sld [smem:$0x3FAD]  }
0x2c: {  	s7 =	sld [smem:$0x3FAE]  }
0x2d: {  	s3 =	simm.s32 $0x108;
	s8 =	sld [smem:$0x3FAF]  }
0x2e: {  	s3 =	simm.s32 @!p0 $0x1082;
	s9 =	sld [smem:$0x3FB0]  }
0x2f: {  	lr =	sadd.s32 s0, s3;
	s0 =	sld [smem:$0x3FA7]  }
0x30: {  	s3 =	sld [smem:$0x3FAA]  }
0x31: {  	[smem:$0x3FB3] =	sst s10  }
0x32: {  	s10 =	sld [smem:$0x3FB1];
	_ =	sdelay $0x3  }
0x33: {  	p0 =	seq.s32 s10, $0x1;
	s10 =	sld [smem:$0x3FB3];
	_ =	sdelay $0x3  }
0x34: {  	[smem:$0x3FB3] =	sst s10  }
0x35: {  	s10 =	sld [smem:$0x3FB2];
	_ =	sdelay $0x3  }
0x36: {  	p1 =	seq.s32 s10, $0x1;
	s10 =	sld [smem:$0x3FB3];
	_ =	sdelay $0x3  }
0x37: {  	[smem:$0x3FB3] =	sst s10  }
0x38: {  	s10 =	sld [smem:$0x3FB4]  }
0x39: {  	_ = 	snop;
	(pc) =	sbr.ind lr, $3  }
0x3a: {  	_ = 	snop  }
0x3b: {  	_ = 	snop  }
0x3c: {  	p2 =	seq.s32 s10, $0x1;
	s10 =	sld [smem:$0x3FB3]  }
0x3d: {  	_ =	shalt  }
0x3e: {  	_ =	shalt  }
0x3f: {  	_ =	shalt  }
0x40: {  	_ =	shalt  }
0x41: {  	_ =	shalt  }
0x42: {  	_ =	shalt  }
0x43: {  	_ =	shalt  }
0x44: {  	_ =	shalt  }
0x45: {  	_ =	shalt  }
0x46: {  	_ =	shalt  }
0x47: {  	_ =	shalt  }
0x48: {  	_ =	shalt  }
0x49: {  	_ =	shalt  }
0x4a: {  	_ =	shalt  }
0x4b: {  	_ =	shalt  }
0x4c: {  	_ =	shalt  }
0x4d: {  	_ =	shalt  }
0x4e: {  	_ =	shalt  }
0x4f: {  	_ =	shalt  }
0x50: {  	_ =	shalt  }
0x51: {  	_ =	shalt  }
0x52: {  	_ =	shalt  }
0x53: {  	_ =	shalt  }
0x54: {  	_ =	shalt  }
0x55: {  	_ =	shalt  }
0x56: {  	_ =	shalt  }
0x57: {  	_ =	shalt  }
0x58: {  	_ =	shalt  }
0x59: {  	_ =	shalt  }
0x5a: {  	_ =	shalt  }
0x5b: {  	_ =	shalt  }
0x5c: {  	_ =	shalt  }
0x5d: {  	_ =	shalt  }
0x5e: {  	_ =	shalt  }
0x5f: {  	_ =	shalt  }
0x60: {  	_ =	shalt  }
0x61: {  	_ =	shalt  }
0x62: {  	_ =	shalt  }
0x63: {  	_ =	shalt  }
0x64: {  	_ =	shalt  }
0x65: {  	_ =	shalt  }
0x66: {  	_ =	shalt  }
0x67: {  	_ =	shalt  }
0x68: {  	_ =	shalt  }
0x69: {  	_ =	shalt  }
0x6a: {  	_ =	shalt  }
0x6b: {  	_ =	shalt  }
0x6c: {  	_ =	shalt  }
0x6d: {  	_ =	shalt  }
0x6e: {  	_ =	shalt  }
0x6f: {  	_ =	shalt  }
0x70: {  	_ =	shalt  }
0x71: {  	_ =	shalt  }
0x72: {  	_ =	shalt  }
0x73: {  	_ =	shalt  }
0x74: {  	_ =	shalt  }
0x75: {  	_ =	shalt  }
0x76: {  	_ =	shalt  }
0x77: {  	_ =	shalt  }
0x78: {  	_ =	shalt  }
0x79: {  	_ =	shalt  }
0x7a: {  	_ =	shalt  }
0x7b: {  	_ =	shalt  }
0x7c: {  	_ =	shalt  }
0x7d: {  	_ =	shalt  }
0x7e: {  	_ =	shalt  }
0x7f: {  	_ =	shalt  }
0x80: {  	_ =	shalt  }
0x81: {  	_ =	shalt  }
0x82: {  	_ =	shalt  }
0x83: {  	_ =	shalt  }
0x84: {  	_ =	shalt  }
0x85: {  	_ =	shalt  }
0x86: {  	_ =	shalt  }
0x87: {  	_ =	shalt  }
.Lfunc_end0:
.L_simem_size_0:
called_computation_lowered:
.L_overlay_start_0:
0x88: {  	s2 =	sld [smem:$0x3FD9]  }
0x89: {  	s3 =	sld [smem:$0x3FFE];
	_ =	sdelay $0x1  }
0x8a: {  	s1 =	srdreg.scid  }
0x8b: {  	s0 =	sand.u32 $0x1, s1  }
0x8c: {  	s30 =	sshll.u32 s0, $0xA;
	s2 =	sadd.s32 s3, s2  }
0x8d: {  	s2 =	sadd.s32 s2, s30  }
0x8e: {  	[smem:$0x3FBF] =	sst s2  }
0x8f: {  	_ = 	snop  }
0x90: {  	s2 =	sld [smem:$0x3FC9]  }
0x91: {  	s31 =	sld [smem:$0x3FC8]  }
0x92: {  	s4 =	sld [smem:$0x3FC7]  }
0x93: {  	s5 =	sld [smem:$0x3FC6]  }
0x94: {  	s6 =	sld [smem:$0x3FC5]  }
0x95: {  	s7 =	sld [smem:$0x3FD0]  }
0x96: {  	s8 =	sld [smem:$0x3FC4]  }
0x97: {  	s9 =	sld [smem:$0x3FC3]  }
0x98: {  	s11 =	simm.s32 $0xA;
	s12 =	simm.s32 $0x10;
	s10 =	sld [smem:$0x3FC2]  }
0x99: {  	[smem:s12], [sflag:s11] =	dma.local [hbm:s7], $0x1  }
0x9a: {  	_ =	swait.eq [sflag:s11], $0x1  }
0x9b: {  	[sflag:s11] =	ssyncset.done $0x0  }
0x9c: {  	[sflag:s11] =	ssyncadd.s32 $0xFFFFFFFF  }
0x9d: {  	s16 =	sld [smem:$0x11];
	(tm) =	ssettm $0x1  }
0x9e: {  	s17 =	sld [smem:$0x3FFB];
	_ =	sdelay $0x3  }
0x9f: {  	_ =	strace s17  }
0xa0: {  	s11 =	sld [smem:$0x3FFC];
	_ =	sdelay $0x3  }
0xa1: {  	_ =	strace s11  }
0xa2: {  	s11 =	sld [smem:$0x3FFD];
	_ =	sdelay $0x3  }
0xa3: {  	_ =	strace s11  }
0xa4: {  	_ =	strace $0x8FFFFFFF  }
0xa5: {  	s18 =	sld [smem:$0x3FDB];
	_ =	sdelay $0x1  }
0xa6: {  	s19 =	simm.s32 $_scs_section_size  }
0xa7: {  	s13 =	simm.s32 $_size__tile_overlayer_lowered;
	s14 =	simm.s32 $_tile_overlayer_lowered  }
0xa8: {  	s22 =	simm.s32 $0x1BFF;
	s21 =	sshll.u32 s14, $0x1;
	s11 =	sadd.s32 s19, s18  }
0xa9: {  	s15 =	simm.s32 $0x0;
	s20 =	sshll.u32 s13, $0x1;
	s13 =	sadd.s32 s21, s11  }
0xaa: {  	[timem:s15], [sflag:s22] =	dma.local [hbm:s13], s20  }
0xab: {  	_ =	swait.ge [sflag:s22], s20  }
0xac: {  	s12 =	ssub.s32 $0x0, s20;
	[sflag:s22] =	ssyncset.done $0x0  }
0xad: {  	[sflag:s22] =	ssyncadd.s32 s12;
	_ =	sdelay $0x1  }
0xae: {  	s23 =	simm.s32 $0x1B8B  }
0xaf: {  	_ =	swait.ge [sflag:s23], $0x1  }
0xb0: {  	[sflag:s23] =	ssyncset.done $0x0  }
0xb1: {  	s25 =	simm.s32 $0x1B8E;
	s24 =	sld [smem:$0x3FFE];
	[sflag:s23] =	ssyncadd.s32 $0xFFFFFFFF  }
0xb2: {  	s26 =	simm.s32 $execute0_lowered;
	[smem:$0x3FD2] =	sst s25  }
0xb3: {  	s13 =	sshll.u32 s26, $0x1;
	_ =	strace $0x80000046;
	[dreg:$0x1] =	wrdreg $0xFFFFFFFF  }
0xb4: {  	s28 =	simm.s32 $_size_execute0_lowered;
	s11 =	sadd.s32 s11, s13;
	[dreg:$0x0] =	wrdreg $0x0  }
0xb5: {  	s13 =	sshll.u32 s28, $0x1;
	[dreg:$0x2] =	wrdreg s11  }
0xb6: {  	[dreg:$0x3] =	wrdreg s13  }
0xb7: {  	[dreg:$0x4] =	wrdreg $0xC0  }
0xb8: {  	_ =	task [dreg:s15], $0x5FFFF  }
0xb9: {  	[dreg:$0x1] =	wrdreg $0xFFFFFFFF  }
0xba: {  	[dreg:$0x0] =	wrdreg $0x60  }
0xbb: {  	[dreg:$0x2] =	wrdreg s2  }
0xbc: {  	[dreg:$0x3] =	wrdreg s31  }
0xbd: {  	[dreg:$0x4] =	wrdreg s4  }
0xbe: {  	[dreg:$0x5] =	wrdreg s5  }
0xbf: {  	[dreg:$0x6] =	wrdreg s6  }
0xc0: {  	[dreg:$0x7] =	wrdreg s8  }
0xc1: {  	[dreg:$0x8] =	wrdreg s9  }
0xc2: {  	[dreg:$0x9] =	wrdreg s10  }
0xc3: {  	[dreg:$0xa] =	wrdreg s16  }
0xc4: {  	[dreg:$0xb] =	wrdreg s24  }
0xc5: {  	[dreg:$0xc] =	wrdreg $0xB8800  }
0xc6: {  	[dreg:$0xd] =	wrdreg $0x154C00  }
0xc7: {  	[dreg:$0xe] =	wrdreg $0x9  }
0xc8: {  	_ =	task.clear_ibuf [dreg:s15], $0xFFFFF;
	_ =	strace $0x90000046  }
0xc9: {  	s29 =	simm.s32 $0x9;
	_ =	strace $0x80000048  }
0xca: {  	_ =	swait.ge [sflag:s29], $0x1  }
0xcb: {  	[sflag:s29] =	ssyncadd.s32 $0xFFFFFFFF  }
0xcc: {  	_ =	strace $0x90000048  }
0xcd: {  	_ =	sfence  }
0xce: {  	s30 =	sld [smem:$0x0];
	_ =	sdelay $0x2  }
0xcf: {  	s31 =	sshll.u32 s1, $0xD;
	s1 =	sshrl.u32 s1, $0x2  }
0xd0: {  	s3 =	sand.u32 $0x4000, s31;
	s1 =	sadd.s32 s1, s30  }
0xd1: {  	s0 =	sor.u32 s3, s0;
	s1 =	sshll.u32 s1, $0x11  }
0xd2: {  	s0 =	sor.u32 s1, s0  }
0xd3: {  	s0 =	sadd.s32 $0x8F2B, s0  }
0xd4: {  	[sflag:s0] =	ssyncadd.remote.s32 $0x1  }
0xd5: {  	_ =	sfence.sel $0xFFFF  }
0xd6: {  	[dreg:$0x0] =	wrdreg $0xFFFFFFFF;
	(pc) =	sbr.abs _section_cstart, $3  }
0xd7: {  	[dreg:$0x1] =	wrdreg $0xFFFFFFFF  }
0xd8: {  	_ =	task.clear_ibuf [dreg:s15], $0x2FFFF;
	_ =	strace $0x9FFFFFFF  }
0xd9: {  	(tm) =	ssettm $0x7FFFFFFF  }
tec
execute0_lowered:
.L_overlay_start_1:
0x0: {  	(tag) =	ssettag $0x1  }
0x1: {  	s0 =	rddreg [dreg:$0x0]  }
0x2: {  	s1 =	rddreg [dreg:$0x1]  }
0x3: {  	s2 =	rddreg [dreg:$0x2]  }
0x4: {  	s3 =	rddreg [dreg:$0x3]  }
0x5: {  	s4 =	rddreg [dreg:$0x4]  }
0x6: {  	s5 =	rddreg [dreg:$0x5]  }
0x7: {  	s7 =	rddreg [dreg:$0x6]  }
0x8: {  	s8 =	rddreg [dreg:$0x7]  }
0x9: {  	s6 =	rddreg [dreg:$0x9]  }
0xa: {  	s10 =	rddreg [dreg:$0xa]  }
0xb: {  	s11 =	rddreg [dreg:$0xb]  }
0xc: {  	s12 =	simm.s32 $0x0;
	s9 =	srdreg.scid;
	s19 =	stileid.u32  }
0xd: {  	s28 =	simm.s32 $0x80;
	s29 =	simm.s32 $0x50;
	s30 =	simm.s32 $0x400  }
0xe: {  	s31 =	simm.s32 $0x2C00;
	[smem:$0x7FF] =	sst s12;
	s9 =	sand.u32 $0x1, s9  }
0xf: {  	s13 =	sadd.s32 $0xC00, s6;
	s6 =	sadd.s32 $0x27E00, s6;
	s16 =	smul.u32 $0x6400, s19  }
0x10: {  	p0 =	sgt.u32 s19, $0x8;
	_ =	strace $0x80000047;
	s14 =	ssub.s32 $0x2, s9  }
0x11: {  	s20 =	sshll.u32 s9, $0x4;
	s9 =	smul.u32 $0x9C400, s9;
	s15 =	sshrl.u32 s14, $0x1  }
0x12: {  	s23 =	sadd.s32 s16, s10;
	s17 =	sadd.s32 $0x64000, s16;
	s18 =	sadd.s32 s16, s11  }
0x13: {  	s14 =	ssub.s32 s14, s15;
	s15 =	sor.u32 s19, s20;
	[dreg:$0xe] =	wrdreg s18  }
0x14: {  	s21 =	sadd.s32 s17, s10;
	s16 =	sadd.s32 s16, s9;
	[dreg:$0xd] =	wrdreg s23  }
0x15: {  	s22 =	sadd.s32 s17, s11;
	s9 =	sadd.s32 s9, s17;
	[dreg:$0xf] =	wrdreg s21  }
0x16: {  	s19 =	simm.s32 $0x2;
	s20 =	simm.s32 $0x300;
	[dreg:$0x10] =	wrdreg s22  }
0x17: {  	s16 =	sshrl.u32 s16, $0x3;
	s18 =	smul.u32 $0x2710, s15;
	s26 =	smax.u32 s14, $0x1  }
0x18: {  	s9 =	sshrl.u32 s9, $0x3;
	s24 =	sadd.s32 s13, s16;
	[dreg:$0x15] =	wrdreg s26  }
0x19: {  	s21 =	simm.s32 $0x380;
	s25 =	sadd.s32 s6, s16;
	[dreg:$0x11] =	wrdreg s24  }
0x1a: {  	s22 =	simm.s32 $0x0;
	s13 =	sadd.s32 s13, s9;
	[dreg:$0x12] =	wrdreg s25  }
0x1b: {  	s6 =	sadd.s32 s6, s9;
	s9 =	simm.s32 $0x180;
	[dreg:$0x13] =	wrdreg s13  }
0x1c: {  	s26 =	simm.s32 $0x200;
	[dreg:$0x14] =	wrdreg s6;
	s25 =	simm.s32 $0x3  }
0x1d: {  	v0 =	vimm.f32 $0.0e+00;
	s6 =	simm.s32 $0x100;
	s13 =	simm.s32 $0x280;
	s24 =	simm.s32 $0x1  }
.LBB2_1:
0x1e: {  	s14 =	simm.s32 $0x0;
	s15 =	simm.s32 $0x200  }
.LBB2_2:
0x1f: {  	p1 =	sne.s32 s15, $0x18E00;
	[tilespmem:s14+$0x5470] =	vst v0  }
0x20: {  	[tilespmem:s14+$0x5400] =	vst v0  }
0x21: {  	[tilespmem:s14+$0x5410] =	vst v0  }
.Ltmp0:
0x22: {  	[tilespmem:s14+$0x5420] =	vst v0;
	(pc) =	sbr.rel @p1 .LBB2_2-.Ltmp0, $4  }
0x23: {  	[tilespmem:s14+$0x5430] =	vst v0  }
0x24: {  	[tilespmem:s14+$0x5440] =	vst v0  }
0x25: {  	[tilespmem:s14+$0x5450] =	vst v0  }
0x26: {  	[tilespmem:s14+$0x5460] =	vst v0;
	s14 =	sshra.s32 s15, $0x2;
	s15 =	sadd.s32 $0x200, s15  }
0x27: {  	[tilespmem:s14+$0x5470] =	vst v0  }
0x28: {  	[tilespmem:s14+$0x5400] =	vst v0  }
0x29: {  	[tilespmem:s14+$0x5410] =	vst v0  }
0x2a: {  	[tilespmem:s14+$0x5420] =	vst v0  }
0x2b: {  	[tilespmem:s14+$0x5430] =	vst v0  }
0x2c: {  	[tilespmem:s14+$0x5440] =	vst v0  }
0x2d: {  	[tilespmem:s14+$0x5450] =	vst v0  }
0x2e: {  	[tilespmem:s14+$0x5460] =	vst v0;
	s15 =	simm.s32 $0x5400  }
0x2f: {  	[spmem:s23] =	stream.linear.scatter [tilespmem:s15], [sflag:$0x3], $0x6400, $0x38;
	[tilespmem:$0x1F100] =	vst v63  }
0x30: {  	_ =	swait.ge [sflag:s25], $0x6400  }
0x31: {  	[sflag:s25] =	ssyncset.done $0x0  }
0x32: {  	s23 =	rddreg [dreg:$0xe];
	[sflag:s25] =	ssyncadd.s32 $0xFFFF9C00  }
0x33: {  	[spmem:s23] =	stream.linear.scatter [tilespmem:s15], [sflag:$0x3], $0x6400, $0x38;
	[tilespmem:$0x1F100] =	vst v63  }
0x34: {  	_ =	swait.ge [sflag:s25], $0x6400  }
0x35: {  	[sflag:s25] =	ssyncset.done $0x0  }
0x36: {  	s14 =	simm.s32 @!p0 $0x5400;
	s15 =	rddreg [dreg:$0xf];
	[sflag:s25] =	ssyncadd.s32 $0xFFFF9C00  }
0x37: {  	[spmem:s15] =	stream.linear.scatter @!p0 [tilespmem:s14], [sflag:$0x3], $0x6400, $0x38;
	[tilespmem:$0x1F100] =	vst v63  }
0x38: {  	s15 =	simm.s32 @!p0 $0x3  }
0x39: {  	_ =	swait.ge @!p0 [sflag:s15], $0x6400  }
0x3a: {  	[sflag:s15] =	ssyncset.done @!p0 $0x0  }
0x3b: {  	s16 =	rddreg [dreg:$0x10];
	[sflag:s15] =	ssyncadd.s32 @!p0 $0xFFFF9C00  }
0x3c: {  	[spmem:s16] =	stream.linear.scatter @!p0 [tilespmem:s14], [sflag:$0x3], $0x6400, $0x38;
	[tilespmem:$0x1F100] =	vst v63  }
0x3d: {  	_ =	swait.ge @!p0 [sflag:s15], $0x6400  }
0x3e: {  	[sflag:s15] =	ssyncset.done @!p0 $0x0  }
0x3f: {  	[sflag:s15] =	ssyncadd.s32 @!p0 $0xFFFF9C00  }
0x40: {  	s17 =	simm.s32 $0xB800;
	s23 =	simm.s32 $0x0;
	s16 =	rddreg [dreg:$0x8]  }
0x41: {  	[tilespmem:s17], [sflag:$0x3] =	stream.linear.gather [hbm4b:s16+s23], $0x80, $0x38;
	[tilespmem:$0x1F100] =	vst v63  }
0x42: {  	_ =	swait.ge [sflag:s25], $0x80  }
0x43: {  	[sflag:s25] =	ssyncset.done $0x0  }
0x44: {  	[sflag:s25] =	ssyncadd.s32 $0xFFFFFF80  }
0x45: {  	s14 =	simm.s32 $0x0;
	v1 =	vld [tilespmem:$0xB800];
	[bflag:$0x0] =	sbarrier.arrive $0xFFFF  }
.LBB2_4:
0x46: {  	s15 =	smul.u32 $0x50, s14;
	_ =	sdelay $0x1  }
0x47: {  	s15 =	sadd.s32 s18, s15  }
0x48: {  	s15 =	sshrl.u32 s15, $0x3  }
0x49: {  	s16 =	sadd.s32 s2, s15  }
0x4a: {  	[tilespmem:s23], [sflag:$0x3] =	stream.linear.gather [hbm4b:s16+s23], $0x50, $0x38;
	[tilespmem:$0x1F100] =	vst v63  }
0x4b: {  	_ =	swait.ge [sflag:s25], $0x50  }
0x4c: {  	[sflag:s25] =	ssyncset.done $0x0  }
0x4d: {  	s17 =	sadd.s32 s3, s15;
	[sflag:s25] =	ssyncadd.s32 $0xFFFFFFB0  }
0x4e: {  	[tilespmem:s28], [sflag:$0x3] =	stream.linear.gather [hbm4b:s17+s23], $0x50, $0x38;
	[tilespmem:$0x1F100] =	vst v63  }
0x4f: {  	_ =	swait.ge [sflag:s25], $0x50  }
0x50: {  	[sflag:s25] =	ssyncset.done $0x0  }
0x51: {  	[sflag:s25] =	ssyncadd.s32 $0xFFFFFFB0  }
0x52: {  	[tilespmem:s30], [sflag:$0x1] =	stream.indirect.gather [hbm4b:s0+s29], $0x80, s23, s29, $0xb8;
	[tilespmem:$0x1F100] =	vst v63  }
0x53: {  	_ = 	snop  }
0x54: {  	[tilespmem:s31], [sflag:$0x2] =	stream.indirect.gather [hbm4b:s1+s29], $0x80, s28, s29, $0xb8;
	[tilespmem:$0x1F100] =	vst v63  }
0x55: {  	s17 =	sadd.s32 s4, s15  }
0x56: {  	[tilespmem:s6], [sflag:$0x3] =	stream.linear.gather [hbm4b:s17+s23], $0x50, $0x38;
	[tilespmem:$0x1F100] =	vst v63  }
0x57: {  	_ =	swait.ge [sflag:s25], $0x50  }
0x58: {  	[sflag:s25] =	ssyncset.done $0x0  }
0x59: {  	s17 =	sadd.s32 s5, s15;
	[sflag:s25] =	ssyncadd.s32 $0xFFFFFFB0  }
0x5a: {  	[tilespmem:s9], [sflag:$0x3] =	stream.linear.gather [hbm4b:s17+s23], $0x50, $0x38;
	[tilespmem:$0x1F100] =	vst v63  }
0x5b: {  	_ =	swait.ge [sflag:s25], $0x50  }
0x5c: {  	[sflag:s25] =	ssyncset.done $0x0  }
0x5d: {  	s17 =	sadd.s32 s7, s15;
	[sflag:s25] =	ssyncadd.s32 $0xFFFFFFB0  }
0x5e: {  	[tilespmem:s26], [sflag:$0x3] =	stream.linear.gather [hbm4b:s17+s23], $0x50, $0x38;
	[tilespmem:$0x1F100] =	vst v63  }
0x5f: {  	_ =	swait.ge [sflag:s25], $0x50  }
0x60: {  	[sflag:s25] =	ssyncset.done $0x0  }
0x61: {  	s15 =	sadd.s32 s8, s15;
	[sflag:s25] =	ssyncadd.s32 $0xFFFFFFB0  }
0x62: {  	[tilespmem:s13], [sflag:$0x3] =	stream.linear.gather [hbm4b:s15+s23], $0x50, $0x38;
	[tilespmem:$0x1F100] =	vst v63  }
0x63: {  	_ =	swait.ge [sflag:s25], $0x50  }
0x64: {  	[sflag:s25] =	ssyncset.done $0x0  }
0x65: {  	[sflag:s25] =	ssyncadd.s32 $0xFFFFFFB0  }
0x66: {  	v2 =	vld [tilespmem:$0x100]  }
0x67: {  	v3 =	vld [tilespmem:$0x200];
	_ =	sdelay $0x2  }
0x68: {  	v4 =	vld [tilespmem:$0x110]  }
0x69: {  	v5 =	vld [tilespmem:$0x210];
	v2 =	vmul.f32 v2, v1  }
0x6a: {  	v6 =	vld [tilespmem:$0x120];
	v3 =	vmul.f32 v3, v1  }
0x6b: {  	v7 =	vld [tilespmem:$0x220];
	v2 =	vmul.f32 $1.442695020e+00, v2  }
0x6c: {  	v3 =	vmul.f32 $1.442695020e+00, v3  }
0x6d: {  	(erf) = vpow2.f32 v2;
	v2 =	vmul.f32 v4, v1  }
0x6e: {  	v4 =	vld [tilespmem:$0x130];
	(erf) = vpow2.f32 v3;
	v3 =	vmul.f32 v5, v1  }
0x6f: {  	v5 =	vmul.f32 v6, v1;
	v6 =	vld [tilespmem:$0x230];
	v2 =	vmul.f32 $1.442695020e+00, v2  }
0x70: {  	v8 =	vld [tilespmem:$0x140];
	v7 =	vmul.f32 v7, v1;
	v3 =	vmul.f32 $1.442695020e+00, v3  }
0x71: {  	(erf) = vpow2.f32 v2;
	v2 =	vmul.f32 $1.442695020e+00, v5;
	v5 =	vld [tilespmem:$0x240]  }
0x72: {  	(erf) = vpow2.f32 v3;
	v3 =	vmul.f32 $1.442695020e+00, v7  }
0x73: {  	(erf) = vpow2.f32 v2;
	v2 =	vmul.f32 v4, v1  }
0x74: {  	(erf) = vpow2.f32 v3;
	v3 =	vmul.f32 v6, v1  }
0x75: {  	v4 =	vmul.f32 v8, v1;
	v2 =	vmul.f32 $1.442695020e+00, v2  }
0x76: {  	v3 =	vmul.f32 $1.442695020e+00, v3;
	v5 =	vmul.f32 v5, v1  }
0x77: {  	v6 =	vld [tilespmem:$0x180];
	(erf) = vpow2.f32 v2;
	v2 =	vmul.f32 $1.442695020e+00, v4  }
0x78: {  	v7 =	vld [tilespmem:$0x280];
	(erf) = vpow2.f32 v3;
	v3 =	vmul.f32 $1.442695020e+00, v5  }
0x79: {  	v4 =	vld [tilespmem:$0x190]  }
0x7a: {  	v5 =	vld [tilespmem:$0x290];
	(erf) = vpow2.f32 v2  }
0x7b: {  	v59 =	vld [tilespmem:$0x1A0];
	v2 =	vpop (erf);
	(erf) = vpow2.f32 v3  }
0x7c: {  	v3 =	vpop (erf);
	v2 =	vmul.f32 v2, v6;
	v6 =	vld [tilespmem:$0x2A0]  }
0x7d: {  	v9 =	vpop (erf);
	v3 =	vmul.f32 v3, v7;
	v7 =	vld [tilespmem:$0x1B0]  }
0x7e: {  	v10 =	vpop (erf);
	[tilespmem:$0x300] =	vst v2;
	v2 =	vmul.f32 v9, v4;
	v4 =	vld [tilespmem:$0x2B0]  }
0x7f: {  	v60 =	vpop (erf);
	[tilespmem:$0x380] =	vst v3;
	v3 =	vmul.f32 v10, v5;
	v5 =	vld [tilespmem:$0x1C0]  }
0x80: {  	v62 =	vld [tilespmem:$0x2C0];
	v61 =	vpop (erf);
	[tilespmem:$0x310] =	vst v2;
	v2 =	vmul.f32 v60, v59  }
0x81: {  	v63 =	vpop (erf);
	[tilespmem:$0x390] =	vst v3;
	v3 =	vmul.f32 v61, v6  }
0x82: {  	v6 =	vpop (erf);
	[tilespmem:$0x320] =	vst v2;
	v2 =	vmul.f32 v63, v7  }
0x83: {  	v7 =	vpop (erf);
	[tilespmem:$0x3A0] =	vst v3;
	v3 =	vmul.f32 v6, v4  }
0x84: {  	[tilespmem:$0x330] =	vst v2;
	v2 =	vmul.f32 v7, v5;
	v4 =	vpop (erf)  }
0x85: {  	[tilespmem:$0x3B0] =	vst v3;
	v3 =	vmul.f32 v4, v62  }
0x86: {  	[tilespmem:$0x340] =	vst v2  }
0x87: {  	[tilespmem:$0x3C0] =	vst v3  }
0x88: {  	_ =	swait.ge [sflag:s24], $0x2800  }
0x89: {  	v2 =	vmov s23;
	[sflag:s24] =	ssyncset.done $0x0  }
0x8a: {  	[sflag:s24] =	ssyncadd.s32 $0xFFFFD800  }
0x8b: {  	_ =	swait.ge [sflag:s19], $0x2800  }
0x8c: {  	[sflag:s19] =	ssyncset.done $0x0  }
0x8d: {  	[sflag:s19] =	ssyncadd.s32 $0xFFFFD800  }
0x8e: {  	s16 =	simm.s32 $0x440;
	v3 =	vld.idx.msk [tilespmem:v2+s20+$0x0], $0xffff  }
0x8f: {  	v4 =	vld [tilespmem:s16+$0xFFFFFFC0];
	_ =	sdelay $0x4  }
0x90: {  	v4 =	vmul.f32 v4, v3;
	_ =	sdelay $0x1  }
0x91: {  	s15 =	simm.s32 $0x2C40;
	v2 =	vld.idx.msk [tilespmem:v2+s21+$0x0], $0xffff;
	[tilespmem:s16+$0xFFFFFFC0] =	vst v4  }
0x92: {  	v4 =	vld [tilespmem:s15+$0xFFFFFFC0];
	_ =	sdelay $0x4  }
0x93: {  	v4 =	vmul.f32 v4, v2;
	_ =	sdelay $0x1  }
0x94: {  	[tilespmem:s15+$0xFFFFFFC0] =	vst v4  }
0x95: {  	v4 =	vld [tilespmem:s16+$0xFFFFFFD0];
	_ =	sdelay $0x4  }
0x96: {  	v4 =	vmul.f32 v4, v3;
	_ =	sdelay $0x1  }
0x97: {  	[tilespmem:s16+$0xFFFFFFD0] =	vst v4  }
0x98: {  	v4 =	vld [tilespmem:s15+$0xFFFFFFD0];
	_ =	sdelay $0x4  }
0x99: {  	v4 =	vmul.f32 v4, v2;
	_ =	sdelay $0x1  }
0x9a: {  	[tilespmem:s15+$0xFFFFFFD0] =	vst v4  }
0x9b: {  	v4 =	vld [tilespmem:s16+$0xFFFFFFE0];
	_ =	sdelay $0x4  }
0x9c: {  	v4 =	vmul.f32 v4, v3;
	_ =	sdelay $0x1  }
0x9d: {  	[tilespmem:s16+$0xFFFFFFE0] =	vst v4  }
0x9e: {  	v4 =	vld [tilespmem:s15+$0xFFFFFFE0];
	_ =	sdelay $0x4  }
0x9f: {  	v4 =	vmul.f32 v4, v2;
	_ =	sdelay $0x1  }
0xa0: {  	[tilespmem:s15+$0xFFFFFFE0] =	vst v4  }
0xa1: {  	v4 =	vld [tilespmem:s16+$0xFFFFFFF0];
	_ =	sdelay $0x4  }
0xa2: {  	v4 =	vmul.f32 v4, v3;
	_ =	sdelay $0x1  }
0xa3: {  	[tilespmem:s16+$0xFFFFFFF0] =	vst v4  }
0xa4: {  	v4 =	vld [tilespmem:s15+$0xFFFFFFF0];
	_ =	sdelay $0x4  }
0xa5: {  	v4 =	vmul.f32 v4, v2;
	_ =	sdelay $0x1  }
0xa6: {  	[tilespmem:s15+$0xFFFFFFF0] =	vst v4  }
0xa7: {  	v4 =	vld [tilespmem:s16+$0x0];
	_ =	sdelay $0x4  }
0xa8: {  	v4 =	vmul.f32 v4, v3;
	_ =	sdelay $0x1  }
0xa9: {  	[tilespmem:s16+$0x0] =	vst v4  }
0xaa: {  	v4 =	vld [tilespmem:s15+$0x0];
	_ =	sdelay $0x4  }
0xab: {  	v4 =	vmul.f32 v4, v2;
	_ =	sdelay $0x1  }
0xac: {  	[tilespmem:s15+$0x0] =	vst v4  }
0xad: {  	v4 =	vld [tilespmem:s16+$0x10];
	_ =	sdelay $0x4  }
0xae: {  	v4 =	vmul.f32 v4, v3;
	_ =	sdelay $0x1  }
0xaf: {  	[tilespmem:s16+$0x10] =	vst v4  }
0xb0: {  	v4 =	vld [tilespmem:s15+$0x10];
	_ =	sdelay $0x4  }
0xb1: {  	v4 =	vmul.f32 v4, v2;
	_ =	sdelay $0x1  }
0xb2: {  	[tilespmem:s15+$0x10] =	vst v4  }
0xb3: {  	v4 =	vld [tilespmem:s16+$0x20];
	_ =	sdelay $0x4  }
0xb4: {  	v4 =	vmul.f32 v4, v3;
	_ =	sdelay $0x1  }
0xb5: {  	[tilespmem:s16+$0x20] =	vst v4  }
0xb6: {  	v4 =	vld [tilespmem:s15+$0x20];
	_ =	sdelay $0x4  }
0xb7: {  	v4 =	vmul.f32 v4, v2;
	_ =	sdelay $0x1  }
0xb8: {  	[tilespmem:s15+$0x20] =	vst v4  }
0xb9: {  	v4 =	vld [tilespmem:s16+$0x30];
	_ =	sdelay $0x4  }
0xba: {  	v3 =	vmul.f32 v4, v3;
	_ =	sdelay $0x1  }
0xbb: {  	[tilespmem:s16+$0x30] =	vst v3  }
0xbc: {  	v3 =	vld [tilespmem:s15+$0x30];
	_ =	sdelay $0x1  }
0xbd: {  	s17 =	simm.s32 $0x1  }
0xbe: {  	v4 =	vmov s17;
	s17 =	simm.s32 $0x2  }
.LBB2_5:
0xbf: {  	p1 =	sne.s32 s17, $0x4F  }
0xc0: {  	v2 =	vmul.f32 v3, v2;
	_ =	sdelay $0x1  }
0xc1: {  	[tilespmem:s15+$0x30] =	vst v2  }
0xc2: {  	s16 =	sadd.s32 $0x80, s16;
	v3 =	vld.idx.msk [tilespmem:v4+s20+$0x0], $0xffff  }
0xc3: {  	v2 =	vld [tilespmem:s16+$0xFFFFFFC0];
	_ =	sdelay $0x4  }
0xc4: {  	v5 =	vmul.f32 v2, v3;
	_ =	sdelay $0x1  }
0xc5: {  	s15 =	sadd.s32 $0x80, s15;
	v2 =	vld.idx.msk [tilespmem:v4+s21+$0x0], $0xffff;
	[tilespmem:s16+$0xFFFFFFC0] =	vst v5  }
0xc6: {  	v4 =	vld [tilespmem:s15+$0xFFFFFFC0];
	_ =	sdelay $0x4  }
0xc7: {  	v4 =	vmul.f32 v4, v2;
	_ =	sdelay $0x1  }
0xc8: {  	[tilespmem:s15+$0xFFFFFFC0] =	vst v4  }
0xc9: {  	v4 =	vld [tilespmem:s16+$0xFFFFFFD0];
	_ =	sdelay $0x4  }
0xca: {  	v4 =	vmul.f32 v4, v3;
	_ =	sdelay $0x1  }
0xcb: {  	[tilespmem:s16+$0xFFFFFFD0] =	vst v4  }
0xcc: {  	v4 =	vld [tilespmem:s15+$0xFFFFFFD0];
	_ =	sdelay $0x4  }
0xcd: {  	v4 =	vmul.f32 v4, v2;
	_ =	sdelay $0x1  }
0xce: {  	[tilespmem:s15+$0xFFFFFFD0] =	vst v4  }
0xcf: {  	v4 =	vld [tilespmem:s16+$0xFFFFFFE0];
	_ =	sdelay $0x4  }
0xd0: {  	v4 =	vmul.f32 v4, v3;
	_ =	sdelay $0x1  }
0xd1: {  	[tilespmem:s16+$0xFFFFFFE0] =	vst v4  }
0xd2: {  	v4 =	vld [tilespmem:s15+$0xFFFFFFE0];
	_ =	sdelay $0x4  }
0xd3: {  	v4 =	vmul.f32 v4, v2;
	_ =	sdelay $0x1  }
0xd4: {  	[tilespmem:s15+$0xFFFFFFE0] =	vst v4  }
0xd5: {  	v4 =	vld [tilespmem:s16+$0xFFFFFFF0];
	_ =	sdelay $0x4  }
0xd6: {  	v4 =	vmul.f32 v4, v3;
	_ =	sdelay $0x1  }
0xd7: {  	[tilespmem:s16+$0xFFFFFFF0] =	vst v4  }
0xd8: {  	v4 =	vld [tilespmem:s15+$0xFFFFFFF0];
	_ =	sdelay $0x4  }
0xd9: {  	v4 =	vmul.f32 v4, v2;
	_ =	sdelay $0x1  }
0xda: {  	[tilespmem:s15+$0xFFFFFFF0] =	vst v4  }
0xdb: {  	v4 =	vld [tilespmem:s16+$0x0];
	_ =	sdelay $0x4  }
0xdc: {  	v4 =	vmul.f32 v4, v3;
	_ =	sdelay $0x1  }
0xdd: {  	[tilespmem:s16+$0x0] =	vst v4  }
0xde: {  	v4 =	vld [tilespmem:s15+$0x0];
	_ =	sdelay $0x4  }
0xdf: {  	v4 =	vmul.f32 v4, v2;
	_ =	sdelay $0x1  }
0xe0: {  	[tilespmem:s15+$0x0] =	vst v4  }
0xe1: {  	v4 =	vld [tilespmem:s16+$0x10];
	_ =	sdelay $0x4  }
0xe2: {  	v4 =	vmul.f32 v4, v3;
	_ =	sdelay $0x1  }
0xe3: {  	[tilespmem:s16+$0x10] =	vst v4  }
0xe4: {  	v4 =	vld [tilespmem:s15+$0x10];
	_ =	sdelay $0x4  }
0xe5: {  	v4 =	vmul.f32 v4, v2;
	_ =	sdelay $0x1  }
0xe6: {  	[tilespmem:s15+$0x10] =	vst v4  }
0xe7: {  	v4 =	vld [tilespmem:s16+$0x20];
	_ =	sdelay $0x4  }
0xe8: {  	v4 =	vmul.f32 v4, v3;
	_ =	sdelay $0x1  }
0xe9: {  	[tilespmem:s16+$0x20] =	vst v4  }
0xea: {  	v4 =	vld [tilespmem:s15+$0x20];
	_ =	sdelay $0x4  }
0xeb: {  	v4 =	vmul.f32 v4, v2;
	_ =	sdelay $0x1  }
0xec: {  	[tilespmem:s15+$0x20] =	vst v4  }
0xed: {  	v4 =	vld [tilespmem:s16+$0x30];
	_ =	sdelay $0x4  }
0xee: {  	v3 =	vmul.f32 v4, v3;
	_ =	sdelay $0x1  }
.Ltmp1:
0xef: {  	[tilespmem:s16+$0x30] =	vst v3;
	(pc) =	sbr.rel @p1 .LBB2_5-.Ltmp1, $2  }
0xf0: {  	v3 =	vld [tilespmem:s15+$0x30];
	_ =	sdelay $0x2  }
0xf1: {  	v4 =	vmov s17;
	s17 =	sadd.s32 $0x1, s17  }
0xf2: {  	_ = 	snop  }
0xf3: {  	v2 =	vmul.f32 v3, v2;
	_ =	sdelay $0x1  }
0xf4: {  	[tilespmem:s15+$0x30] =	vst v2  }
0xf5: {  	s16 =	sadd.s32 $0x80, s16;
	v2 =	vld.idx.msk [tilespmem:v4+s20+$0x0], $0xffff  }
0xf6: {  	v3 =	vld [tilespmem:s16+$0xFFFFFFC0];
	_ =	sdelay $0x4  }
0xf7: {  	v3 =	vmul.f32 v3, v2;
	_ =	sdelay $0x1  }
0xf8: {  	s17 =	sadd.s32 $0x80, s15;
	v63 =	vld.idx.msk [tilespmem:v4+s21+$0x0], $0xffff;
	[tilespmem:s16+$0xFFFFFFC0] =	vst v3  }
0xf9: {  	v3 =	vld [tilespmem:s17+$0xFFFFFFC0];
	_ =	sdelay $0x4  }
0xfa: {  	v3 =	vmul.f32 v3, v63;
	_ =	sdelay $0x1  }
0xfb: {  	[tilespmem:s17+$0xFFFFFFC0] =	vst v3  }
0xfc: {  	v3 =	vld [tilespmem:s16+$0xFFFFFFD0];
	_ =	sdelay $0x4  }
0xfd: {  	v3 =	vmul.f32 v3, v2;
	_ =	sdelay $0x1  }
0xfe: {  	[tilespmem:s16+$0xFFFFFFD0] =	vst v3  }
0xff: {  	v3 =	vld [tilespmem:s17+$0xFFFFFFD0];
	_ =	sdelay $0x4  }
0x100: {  	v3 =	vmul.f32 v3, v63;
	_ =	sdelay $0x1  }
0x101: {  	[tilespmem:s17+$0xFFFFFFD0] =	vst v3  }
0x102: {  	v3 =	vld [tilespmem:s16+$0xFFFFFFE0];
	_ =	sdelay $0x4  }
0x103: {  	v3 =	vmul.f32 v3, v2;
	_ =	sdelay $0x1  }
0x104: {  	[tilespmem:s16+$0xFFFFFFE0] =	vst v3  }
0x105: {  	v3 =	vld [tilespmem:s17+$0xFFFFFFE0];
	_ =	sdelay $0x4  }
0x106: {  	v3 =	vmul.f32 v3, v63;
	_ =	sdelay $0x1  }
0x107: {  	[tilespmem:s17+$0xFFFFFFE0] =	vst v3  }
0x108: {  	v3 =	vld [tilespmem:s16+$0xFFFFFFF0];
	_ =	sdelay $0x4  }
0x109: {  	v3 =	vmul.f32 v3, v2;
	_ =	sdelay $0x1  }
0x10a: {  	[tilespmem:s16+$0xFFFFFFF0] =	vst v3  }
0x10b: {  	v3 =	vld [tilespmem:s17+$0xFFFFFFF0];
	_ =	sdelay $0x4  }
0x10c: {  	v3 =	vmul.f32 v3, v63;
	_ =	sdelay $0x1  }
0x10d: {  	[tilespmem:s17+$0xFFFFFFF0] =	vst v3  }
0x10e: {  	v3 =	vld [tilespmem:s16+$0x0];
	_ =	sdelay $0x4  }
0x10f: {  	v3 =	vmul.f32 v3, v2;
	_ =	sdelay $0x1  }
0x110: {  	[tilespmem:s16+$0x0] =	vst v3  }
0x111: {  	v3 =	vld [tilespmem:s17+$0x0];
	_ =	sdelay $0x4  }
0x112: {  	v3 =	vmul.f32 v3, v63;
	_ =	sdelay $0x1  }
0x113: {  	[tilespmem:s17+$0x0] =	vst v3  }
0x114: {  	v3 =	vld [tilespmem:s16+$0x10];
	_ =	sdelay $0x4  }
0x115: {  	v3 =	vmul.f32 v3, v2;
	_ =	sdelay $0x1  }
0x116: {  	[tilespmem:s16+$0x10] =	vst v3  }
0x117: {  	v3 =	vld [tilespmem:s17+$0x10];
	_ =	sdelay $0x4  }
0x118: {  	v3 =	vmul.f32 v3, v63;
	_ =	sdelay $0x1  }
0x119: {  	[tilespmem:s17+$0x10] =	vst v3  }
0x11a: {  	v3 =	vld [tilespmem:s16+$0x20];
	_ =	sdelay $0x4  }
0x11b: {  	v3 =	vmul.f32 v3, v2;
	_ =	sdelay $0x1  }
0x11c: {  	[tilespmem:s16+$0x20] =	vst v3  }
0x11d: {  	v3 =	vld [tilespmem:s17+$0x20];
	_ =	sdelay $0x4  }
0x11e: {  	v3 =	vmul.f32 v3, v63;
	_ =	sdelay $0x1  }
0x11f: {  	[tilespmem:s17+$0x20] =	vst v3  }
0x120: {  	v3 =	vld [tilespmem:s16+$0x30];
	_ =	sdelay $0x4  }
0x121: {  	v2 =	vmul.f32 v3, v2;
	_ =	sdelay $0x1  }
0x122: {  	[tilespmem:s16+$0x30] =	vst v2  }
0x123: {  	v2 =	vld [tilespmem:s17+$0x30];
	_ =	sdelay $0x4  }
0x124: {  	v2 =	vmul.f32 v2, v63;
	_ =	sdelay $0x1  }
0x125: {  	[tilespmem:s17+$0x30] =	vst v2  }
0x126: {  	[spmem:s11] =	stream.indirect.scatter.add.f32 [tilespmem:s30], [sflag:$0x3], $0x80, s28, s29, $0xb8;
	[tilespmem:$0x1F100] =	vst v63  }
0x127: {  	s14 =	sadd.s32 $0x1, s14;
	_ =	swait.ge [sflag:s25], $0x2800  }
0x128: {  	p1 =	sne.s32 s14, $0x7D;
	[sflag:s25] =	ssyncset.done $0x0  }
.Ltmp2:
0x129: {  	[sflag:s25] =	ssyncadd.s32 $0xFFFFD800;
	(pc) =	sbr.rel @p1 .LBB2_4-.Ltmp2, $4  }
0x12a: {  	[spmem:s10] =	stream.indirect.scatter.add.f32 [tilespmem:s31], [sflag:$0x3], $0x80, s12, s29, $0xb8;
	[tilespmem:$0x1F100] =	vst v63  }
0x12b: {  	_ =	swait.ge [sflag:s25], $0x2800  }
0x12c: {  	[sflag:s25] =	ssyncset.done $0x0  }
0x12d: {  	[sflag:s25] =	ssyncadd.s32 $0xFFFFD800  }
0x12e: {  	s14 =	stileid.u32;
	[bflag:$0x0] =	sbarrier.arrive $0xFFFF  }
0x12f: {  	s14 =	sshll.u32 s14, $0x6;
	s23 =	rddreg [dreg:$0xd]  }
0x130: {  	s16 =	rddreg [dreg:$0x11];
	s14 =	sor.u32 $0x1C03, s14;
	s15 =	sshrl.u32 s23, $0x3  }
0x131: {  	[hbm:s16], [sflag:s14] =	dma.local [spmem:s15], $0xC80  }
0x132: {  	_ =	swait.ge [sflag:s25], $0xC80  }
0x133: {  	[sflag:s25] =	ssyncset.done $0x0;
	s16 =	rddreg [dreg:$0xe]  }
0x134: {  	s17 =	rddreg [dreg:$0x12];
	[sflag:s25] =	ssyncadd.s32 $0xFFFFF380;
	s15 =	sshrl.u32 s16, $0x3  }
0x135: {  	[hbm:s17], [sflag:s14] =	dma.local [spmem:s15], $0xC80  }
0x136: {  	_ =	swait.ge [sflag:s25], $0xC80  }
0x137: {  	[sflag:s25] =	ssyncset.done $0x0;
	s15 =	rddreg [dreg:$0xf]  }
0x138: {  	s16 =	rddreg [dreg:$0x13];
	[sflag:s25] =	ssyncadd.s32 $0xFFFFF380;
	s15 =	sshrl.u32 @!p0 s15, $0x3  }
0x139: {  	[hbm:s16], [sflag:s14] =	dma.local @!p0 [spmem:s15], $0xC80  }
0x13a: {  	s15 =	simm.s32 @!p0 $0x3  }
0x13b: {  	_ =	swait.ge @!p0 [sflag:s15], $0xC80  }
0x13c: {  	[sflag:s15] =	ssyncset.done @!p0 $0x0;
	s16 =	rddreg [dreg:$0x10]  }
0x13d: {  	s17 =	rddreg [dreg:$0x14];
	[sflag:s15] =	ssyncadd.s32 @!p0 $0xFFFFF380;
	s16 =	sshrl.u32 @!p0 s16, $0x3  }
0x13e: {  	[hbm:s17], [sflag:s14] =	dma.local @!p0 [spmem:s16], $0xC80  }
0x13f: {  	_ =	swait.ge @!p0 [sflag:s15], $0xC80  }
0x140: {  	s22 =	sadd.s32 $0x1, s22;
	s17 =	rddreg [dreg:$0x15]  }
0x141: {  	p1 =	sne.s32 s22, s17  }
.Ltmp3:
0x142: {  	_ = 	snop;
	(pc) =	sbr.rel @p1 .LBB2_1-.Ltmp3, $3  }
0x143: {  	_ =	sdelay $0x1  }
0x144: {  	[sflag:s15] =	ssyncset.done @!p0 $0x0  }
0x145: {  	[sflag:s15] =	ssyncadd.s32 @!p0 $0xFFFFF380  }
0x146: {  	_ =	sfence.sel $0x180000  }
0x147: {  	[bflag:$0x0] =	sbarrier.arrive $0xFFFF  }
0x148: {  	_ =	strace $0x90000047  }
0x149: {  	s0 =	stileid.u32;
	[bflag:$0x2] =	sbarrier.arrive $0xFFFF  }
0x14a: {  	p0 =	sne.s32 s0, $0x0;
	s0 =	rddreg [dreg:$0xc]  }
0x14b: {  	s0 =	sadd.s32 @!p0 $0x100000, s0  }
0x14c: {  	[sflag:s0] =	ssyncadd.tile.s32 @!p0 $0x1;
	_ =	shalt  }
.Lfunc_end2:
_tile_overlayer_lowered:
.L_overlay_start_2:
0x14d: {  	(tag) =	ssettag $0x2  }
0x14e: {  	s0 =	rddreg [dreg:$0x0];
	s2 =	stileid.u32  }
0x14f: {  	s1 =	rddreg [dreg:$0x1];
	p0 =	sne.s32 s2, $0x0  }
0x150: {  	s3 =	rddreg [dreg:$0x2];
	[bflag:$0x3] =	sbarrier.arrive $0xFFFF;
	s2 =	simm.s32 @!p0 $0x1C03  }
0x151: {  	[timem:s3], [sflag:s2] =	dma.local @!p0 [hbm:s0], s1  }
0x152: {  	s0 =	simm.s32 @!p0 $0x3  }
0x153: {  	_ =	swait.ge @!p0 [sflag:s0], s1  }
0x154: {  	s1 =	ssub.s32 @!p0 $0x0, s1;
	[sflag:s0] =	ssyncset.done @!p0 $0x0  }
0x155: {  	[sflag:s0] =	ssyncadd.s32 @!p0 s1  }
0x156: {  	[bflag:$0x3] =	sbarrier.arrive $0xFFFF  }
0x157: {  	_ =	shalt  }

</sc_bundles>
